<compile_context>
chip_gen: v7x
topology: tpu7x:2x2x1
jax: 0.10.2.dev20260603
libtpu: 0.0.44.dev20260713+nightly
codegen_flags: <defaults>
</compile_context>

<pallas_src>
import functools

import jax
import jax.numpy as jnp
from jax import lax
from jax.experimental import pallas as pl
from jax.experimental.pallas import tpu as pltpu

CH = 384
WIN = 64
NS = 4
RED = 4
CX = CH // RED


def _pick_div(n, prefs):
    for p in prefs:
        if n % p == 0:
            return p
    return 1




def _conv_body(a_ref, b_ref, wx_ref, wy_ref, x_ref, y_ref, *, tile, wp):
    win = jnp.concatenate([a_ref[...], b_ref[...]], axis=1)
    acc = jnp.zeros((tile, CX), dtype=jnp.float32)
    for di in range(3):
        for dj in range(3):
            off = di * wp + dj
            acc = acc + lax.dot_general(
                win[:, off:off + tile], wx_ref[di * 3 + dj],
                (((0,), (0,)), ((), ())),
                preferred_element_type=jnp.float32)
    x_ref[...] = acc
    y_ref[...] = lax.dot_general(
        win[:, wp + 1:wp + 1 + tile], wy_ref[...],
        (((0,), (0,)), ((), ())),
        preferred_element_type=jnp.float32)


def _convs(inp, wx_t, wy_t, hh, ww):
    wp = ww + 2
    inp_p = jnp.pad(inp[None], ((0, 0), (0, 0), (1, 1), (1, 1)),
                    mode='reflect')[0]
    flat = inp_p.reshape(CH, (hh + 2) * wp)
    lp = hh * wp
    tile = 1024
    grid = -(-lp // tile)
    need = (grid + 1) * tile
    flat = jnp.pad(flat, ((0, 0), (0, need - flat.shape[1])))

    x_pad, y_pad = pl.pallas_call(
        functools.partial(_conv_body, tile=tile, wp=wp),
        grid=(grid,),
        in_specs=[
            pl.BlockSpec((CH, tile), lambda i: (0, i)),
            pl.BlockSpec((CH, tile), lambda i: (0, i)),
            pl.BlockSpec((9, CH, CX), lambda i: (0, 0, 0)),
            pl.BlockSpec((CH, CH), lambda i: (0, 0)),
        ],
        out_specs=[
            pl.BlockSpec((tile, CX), lambda i: (i, 0)),
            pl.BlockSpec((tile, CH), lambda i: (i, 0)),
        ],
        out_shape=[
            jax.ShapeDtypeStruct((grid * tile, CX), jnp.float32),
            jax.ShapeDtypeStruct((grid * tile, CH), jnp.float32),
        ],
    )(flat[:, :grid * tile], flat[:, tile:], wx_t, wy_t)
    return x_pad, y_pad




def _attn_body(xc_ref, xp_ref, xn_ref, yc_ref, yp_ref, yn_ref, o_ref, *, cpb):
    for c in range(cpb):
        q = xc_ref[0, c * WIN:(c + 1) * WIN, :]
        if c == 0:
            xprev = xp_ref[0]
        else:
            xprev = xc_ref[0, (c - 1) * WIN:c * WIN, :]
        if c == cpb - 1:
            xnext = xn_ref[0]
        else:
            xnext = xc_ref[0, (c + 1) * WIN:(c + 2) * WIN, :]
        k = jnp.concatenate([q, xprev, xnext], axis=0)
        norm = jnp.sqrt(jnp.sum(k * k, axis=1, keepdims=True))
        k = k / jnp.maximum(norm, 5e-5)
        raw = lax.dot_general(q, k, (((1,), (1,)), ((), ())),
                              preferred_element_type=jnp.float32)
        raw = raw - jnp.max(raw, axis=1, keepdims=True)
        w = jnp.exp(raw)
        w = w / jnp.sum(w, axis=1, keepdims=True)
        if c == 0:
            yprev = yp_ref[0]
        else:
            yprev = yc_ref[0, (c - 1) * WIN:c * WIN, :]
        if c == cpb - 1:
            ynext = yn_ref[0]
        else:
            ynext = yc_ref[0, (c + 1) * WIN:(c + 2) * WIN, :]
        v = jnp.concatenate(
            [yc_ref[0, c * WIN:(c + 1) * WIN, :], yprev, ynext], axis=0)
        o_ref[0, c * WIN:(c + 1) * WIN, :] = jnp.dot(
            w, v, preferred_element_type=jnp.float32)


def _attention(xs, ys, nchunk):
    cpb = _pick_div(nchunk, (8, 7, 4, 2))
    nblk = nchunk // cpb
    bt = cpb * WIN
    ll = xs.shape[1]

    out = pl.pallas_call(
        functools.partial(_attn_body, cpb=cpb),
        grid=(NS, nblk),
        in_specs=[
            pl.BlockSpec((1, bt, CX), lambda s, b: (s, b, 0)),
            pl.BlockSpec((1, WIN, CX),
                         lambda s, b: (s, (b * cpb - 1) % nchunk, 0)),
            pl.BlockSpec((1, WIN, CX),
                         lambda s, b: (s, (b * cpb + cpb) % nchunk, 0)),
            pl.BlockSpec((1, bt, CH), lambda s, b: (s, b, 0)),
            pl.BlockSpec((1, WIN, CH),
                         lambda s, b: (s, (b * cpb - 1) % nchunk, 0)),
            pl.BlockSpec((1, WIN, CH),
                         lambda s, b: (s, (b * cpb + cpb) % nchunk, 0)),
        ],
        out_specs=pl.BlockSpec((1, bt, CH), lambda s, b: (s, b, 0)),
        out_shape=jax.ShapeDtypeStruct((NS, ll, CH), jnp.float32),
    )(xs, xs, xs, ys, ys, ys)
    return out




def _out_body(a_ref, w_ref, b_ref, r_ref, o_ref):
    acc = lax.dot_general(a_ref[...], w_ref[...], (((1,), (0,)), ((), ())),
                          preferred_element_type=jnp.float32)
    o_ref[...] = acc + b_ref[...] + r_ref[...]


def _out_proj(amat, wout_r, bout, inp_t, ll):
    t3 = _pick_div(ll, (512, 448, 256, 128, 64, 8))
    grid = ll // t3
    return pl.pallas_call(
        _out_body,
        grid=(grid,),
        in_specs=[
            pl.BlockSpec((t3, NS * CH), lambda i: (i, 0)),
            pl.BlockSpec((NS * CH, CH), lambda i: (0, 0)),
            pl.BlockSpec((1, CH), lambda i: (0, 0)),
            pl.BlockSpec((t3, CH), lambda i: (i, 0)),
        ],
        out_specs=pl.BlockSpec((t3, CH), lambda i: (i, 0)),
        out_shape=jax.ShapeDtypeStruct((ll, CH), jnp.float32),
    )(amat, wout_r, bout, inp_t)




def kernel(input, semantic_label, Wx, Wy, Wout, bout):
    n, _, hh, ww = input.shape
    ll = hh * ww
    wp = ww + 2
    nchunk = ll // WIN

    inp = input[0]
    wx_t = jnp.transpose(Wx, (2, 3, 1, 0)).reshape(9, CH, CX)
    wy_t = Wy[:, :, 0, 0].T
    wout_r = Wout[:, :, 0, 0].T

    x_pad, y_pad = _convs(inp, wx_t, wy_t, hh, ww)

    sl = semantic_label.reshape(NS, ll)
    offsets = (jnp.arange(NS) * 100).reshape(-1, 1)
    keys = (sl + offsets).reshape(-1)
    indices = jnp.argsort(keys)
    undo_sort = jnp.argsort(indices)
    mod_idx = indices % ll
    idx_pad = (mod_idx // ww) * wp + (mod_idx % ww)

    xs = jnp.take(x_pad, idx_pad, axis=0).reshape(NS, ll, CX)
    ys = jnp.take(y_pad, idx_pad, axis=0).reshape(NS, ll, CH)

    att = _attention(xs, ys, nchunk)

    idx2 = undo_sort.reshape(NS, ll).T.reshape(-1)
    amat = jnp.take(att.reshape(NS * ll, CH), idx2, axis=0)
    amat = amat.reshape(ll, NS * CH)

    inp_t = inp.reshape(CH, ll).T
    out = _out_proj(amat, wout_r, bout.reshape(1, CH), inp_t, ll)
    return out.T.reshape(n, CH, hh, ww)

# --- scband reference (transcript-rebuilt; emitter-appended) ---
"""Pipeline reference for scband-ssrm-35338990911668 (READ-ONLY COPY).

The authoritative reference and input builder live on the scoring server;
editing this copy changes nothing except your own understanding.
"""

import jax, jax.numpy as jnp
import numpy as np
from jax import lax

CH = 384
WIN = 64
NS = 4
RED = 4
H = 224
W = 224


def _conv(x, w, pad):
    if pad:
        x = jnp.pad(x, ((0, 0), (0, 0), (pad, pad), (pad, pad)), mode='reflect')
    return lax.conv_general_dilated(x, w, (1, 1), 'VALID', dimension_numbers=('NCHW', 'OIHW', 'NCHW'))


def _normalize(x, eps=5e-05):
    n = jnp.linalg.norm(x, axis=-1, keepdims=True)
    return x / jnp.maximum(n, eps)


def _adj(x):
    back = jnp.roll(x, 1, axis=2)
    fwd = jnp.roll(x, -1, axis=2)
    return jnp.concatenate([x, back, fwd], axis=3)


def _gather(values, idx):
    d = values.shape[-1]
    idx3 = jnp.broadcast_to(idx[:, :, None], (idx.shape[0], idx.shape[1], d))
    return jnp.take_along_axis(values, idx3, axis=1)


def setup_inputs(seed: int = 0):
    key = jax.random.key(seed)
    k1, k2, k3, k4, k5, k6 = jax.random.split(key, 6)
    c = CH // RED
    inp = {}
    inp['input'] = jax.random.normal(k1, (1, CH, H, W), dtype=jnp.float32)
    inp['semantic_label'] = jax.random.randint(k2, (1, NS, H, W), 0, 21)
    inp['Wx'] = jax.random.normal(k3, (c, CH, 3, 3), dtype=jnp.float32) * float(1.0 / np.sqrt(CH * 9))
    inp['Wy'] = jax.random.normal(k4, (CH, CH, 1, 1), dtype=jnp.float32) * float(1.0 / np.sqrt(CH))
    inp['Wout'] = jax.random.normal(k5, (CH, CH * NS, 1, 1), dtype=jnp.float32) * float(1.0 / np.sqrt(CH * NS))
    inp['bout'] = jax.random.normal(k6, (CH,), dtype=jnp.float32) * 0.01
    return inp


def reference(input, semantic_label, Wx, Wy, Wout, bout):
    N = input.shape[0]
    Hh, Ww = input.shape[2], input.shape[3]
    L = Hh * Ww
    x = _conv(input, Wx, 1)
    y = _conv(input, Wy, 0)
    x_embed = jnp.transpose(x.reshape(N, -1, L), (0, 2, 1))
    y_embed = jnp.transpose(y.reshape(N, -1, L), (0, 2, 1))
    C = x_embed.shape[-1]
    sl = semantic_label.reshape(N, -1, L)
    offsets = (jnp.arange(NS) * 100).reshape(1, -1, 1)
    sl = (sl + offsets).reshape(N, -1)
    indices = jnp.argsort(sl, axis=-1)
    undo_sort = jnp.argsort(indices, axis=-1)
    mod_idx = indices % L
    xs = _gather(x_embed, mod_idx)
    ys = _gather(y_embed, mod_idx)
    assert L % WIN == 0
    xc = xs.reshape(N, NS, -1, WIN, C)
    yc = ys.reshape(N, NS, -1, WIN, C * RED)
    x_match = _adj(_normalize(xc))
    yc2 = _adj(yc)
    raw = jnp.einsum('bhkie,bhkje->bhkij', xc, x_match)
    lse = jax.scipy.special.logsumexp(raw, axis=-1, keepdims=True)
    weight = jnp.exp(raw - lse)
    out = jnp.einsum('bukij,bukje->bukie', weight, yc2)
    out = out.reshape(N, NS, -1, C * RED).reshape(N, -1, C * RED)
    out = _gather(out, undo_sort)
    out = out.reshape(N, NS, L, C * RED)
    out = jnp.transpose(out, (0, 1, 3, 2)).reshape(N, -1, Hh, Ww)
    out = _conv(out, Wout, 0) + bout.reshape(1, -1, 1, 1) + input
    return out

if __name__ == "__main__":
    import jax
    _d = setup_inputs()
    print(jax.jit(kernel)(*tuple(_d.values())))

</pallas_src>

<mosaic_0001>
module attributes {stable_mosaic.version = 14 : i64} {
  func.func @_conv_body(%arg0: i32, %arg1: memref<384x1024xf32, #tpu.memory_space<vmem>>, %arg2: memref<384x1024xf32, #tpu.memory_space<vmem>>, %arg3: memref<9x384x96xf32, #tpu.memory_space<vmem>>, %arg4: memref<384x384xf32, #tpu.memory_space<vmem>>, %arg5: memref<1024x96xf32, #tpu.memory_space<vmem>>, %arg6: memref<1024x384xf32, #tpu.memory_space<vmem>>) attributes {dimension_semantics = [#tpu.dimension_semantics<arbitrary>], iteration_bounds = array<i64: 50>, scalar_prefetch = 0 : i64, scratch_operands = 0 : i64, tpu.core_type = #tpu.core_type<tc>, window_params = [{transform_indices = @transform_0, window_bounds = array<i64: 384, 1024>}, {transform_indices = @transform_1, window_bounds = array<i64: 384, 1024>}, {pipeline_mode = #tpu.pipeline_mode<synchronous>, transform_indices = @transform_2, window_bounds = array<i64: 9, 384, 96>}, {pipeline_mode = #tpu.pipeline_mode<synchronous>, transform_indices = @transform_3, window_bounds = array<i64: 384, 384>}, {transform_indices = @transform_4, window_bounds = array<i64: 1024, 96>}, {transform_indices = @transform_5, window_bounds = array<i64: 1024, 384>}]} {
    %get3A = arith.constant 0 : index
    %get3A_0 = arith.constant 0 : index
    %get3A_1 = vector.load %arg1[%get3A, %get3A_0] : memref<384x1024xf32, #tpu.memory_space<vmem>>, vector<384x1024xf32>
    %get3A_2 = arith.constant 0 : index
    %get3A_3 = arith.constant 0 : index
    %get3A_4 = vector.load %arg2[%get3A_2, %get3A_3] : memref<384x1024xf32, #tpu.memory_space<vmem>>, vector<384x1024xf32>
    %concatenate3A = tpu.concatenate %get3A_1, %get3A_4 in 1 : vector<384x1024xf32>, vector<384x1024xf32> -> vector<384x2048xf32>
    %broadcast_in_dim3A = arith.constant 0.000000e+00 : f32
    %broadcast_in_dim3A_5 = vector.broadcast %broadcast_in_dim3A : f32 to vector<1024x96xf32>
    %slice3A = vector.extract_strided_slice %concatenate3A {offsets = [0, 0], sizes = [384, 1024], strides = [1, 1]} : vector<384x2048xf32> to vector<384x1024xf32>
    %get3A_6 = arith.constant 0 : index
    %get3A_7 = arith.constant 0 : index
    %get3A_8 = arith.constant 0 : index
    %get3A_9 = vector.load %arg3[%get3A_6, %get3A_7, %get3A_8] : memref<9x384x96xf32, #tpu.memory_space<vmem>>, vector<1x384x96xf32>
    %get3A_10 = vector.shape_cast %get3A_9 : vector<1x384x96xf32> to vector<384x96xf32>
    %dot_general3A = arith.constant dense<0.000000e+00> : vector<1024x96xf32>
    %dot_general3A_11 = tpu.matmul %slice3A, %get3A_10, %dot_general3A {dimension_numbers = #tpu.dot_dimension_numbers<[0], [0], [1], [1], [0, 1, 1, 1], [], []>, transpose_lhs_hint = false} : vector<384x1024xf32>, vector<384x96xf32>, vector<1024x96xf32> -> vector<1024x96xf32>
    %add3A = arith.addf %broadcast_in_dim3A_5, %dot_general3A_11 : vector<1024x96xf32>
    %slice3A_12 = vector.extract_strided_slice %concatenate3A {offsets = [0, 1], sizes = [384, 1024], strides = [1, 1]} : vector<384x2048xf32> to vector<384x1024xf32>
    %get3A_13 = arith.constant 1 : index
    %get3A_14 = arith.constant 0 : index
    %get3A_15 = arith.constant 0 : index
    %get3A_16 = vector.load %arg3[%get3A_13, %get3A_14, %get3A_15] : memref<9x384x96xf32, #tpu.memory_space<vmem>>, vector<1x384x96xf32>
    %get3A_17 = vector.shape_cast %get3A_16 : vector<1x384x96xf32> to vector<384x96xf32>
    %dot_general3A_18 = arith.constant dense<0.000000e+00> : vector<1024x96xf32>
    %dot_general3A_19 = tpu.matmul %slice3A_12, %get3A_17, %dot_general3A_18 {dimension_numbers = #tpu.dot_dimension_numbers<[0], [0], [1], [1], [0, 1, 1, 1], [], []>, transpose_lhs_hint = false} : vector<384x1024xf32>, vector<384x96xf32>, vector<1024x96xf32> -> vector<1024x96xf32>
    %add3A_20 = arith.addf %add3A, %dot_general3A_19 : vector<1024x96xf32>
    %slice3A_21 = vector.extract_strided_slice %concatenate3A {offsets = [0, 2], sizes = [384, 1024], strides = [1, 1]} : vector<384x2048xf32> to vector<384x1024xf32>
    %get3A_22 = arith.constant 2 : index
    %get3A_23 = arith.constant 0 : index
    %get3A_24 = arith.constant 0 : index
    %get3A_25 = vector.load %arg3[%get3A_22, %get3A_23, %get3A_24] : memref<9x384x96xf32, #tpu.memory_space<vmem>>, vector<1x384x96xf32>
    %get3A_26 = vector.shape_cast %get3A_25 : vector<1x384x96xf32> to vector<384x96xf32>
    %dot_general3A_27 = arith.constant dense<0.000000e+00> : vector<1024x96xf32>
    %dot_general3A_28 = tpu.matmul %slice3A_21, %get3A_26, %dot_general3A_27 {dimension_numbers = #tpu.dot_dimension_numbers<[0], [0], [1], [1], [0, 1, 1, 1], [], []>, transpose_lhs_hint = false} : vector<384x1024xf32>, vector<384x96xf32>, vector<1024x96xf32> -> vector<1024x96xf32>
    %add3A_29 = arith.addf %add3A_20, %dot_general3A_28 : vector<1024x96xf32>
    %slice3A_30 = vector.extract_strided_slice %concatenate3A {offsets = [0, 226], sizes = [384, 1024], strides = [1, 1]} : vector<384x2048xf32> to vector<384x1024xf32>
    %get3A_31 = arith.constant 3 : index
    %get3A_32 = arith.constant 0 : index
    %get3A_33 = arith.constant 0 : index
    %get3A_34 = vector.load %arg3[%get3A_31, %get3A_32, %get3A_33] : memref<9x384x96xf32, #tpu.memory_space<vmem>>, vector<1x384x96xf32>
    %get3A_35 = vector.shape_cast %get3A_34 : vector<1x384x96xf32> to vector<384x96xf32>
    %dot_general3A_36 = arith.constant dense<0.000000e+00> : vector<1024x96xf32>
    %dot_general3A_37 = tpu.matmul %slice3A_30, %get3A_35, %dot_general3A_36 {dimension_numbers = #tpu.dot_dimension_numbers<[0], [0], [1], [1], [0, 1, 1, 1], [], []>, transpose_lhs_hint = false} : vector<384x1024xf32>, vector<384x96xf32>, vector<1024x96xf32> -> vector<1024x96xf32>
    %add3A_38 = arith.addf %add3A_29, %dot_general3A_37 : vector<1024x96xf32>
    %slice3A_39 = vector.extract_strided_slice %concatenate3A {offsets = [0, 227], sizes = [384, 1024], strides = [1, 1]} : vector<384x2048xf32> to vector<384x1024xf32>
    %get3A_40 = arith.constant 4 : index
    %get3A_41 = arith.constant 0 : index
    %get3A_42 = arith.constant 0 : index
    %get3A_43 = vector.load %arg3[%get3A_40, %get3A_41, %get3A_42] : memref<9x384x96xf32, #tpu.memory_space<vmem>>, vector<1x384x96xf32>
    %get3A_44 = vector.shape_cast %get3A_43 : vector<1x384x96xf32> to vector<384x96xf32>
    %dot_general3A_45 = arith.constant dense<0.000000e+00> : vector<1024x96xf32>
    %dot_general3A_46 = tpu.matmul %slice3A_39, %get3A_44, %dot_general3A_45 {dimension_numbers = #tpu.dot_dimension_numbers<[0], [0], [1], [1], [0, 1, 1, 1], [], []>, transpose_lhs_hint = false} : vector<384x1024xf32>, vector<384x96xf32>, vector<1024x96xf32> -> vector<1024x96xf32>
    %add3A_47 = arith.addf %add3A_38, %dot_general3A_46 : vector<1024x96xf32>
    %slice3A_48 = vector.extract_strided_slice %concatenate3A {offsets = [0, 228], sizes = [384, 1024], strides = [1, 1]} : vector<384x2048xf32> to vector<384x1024xf32>
    %get3A_49 = arith.constant 5 : index
    %get3A_50 = arith.constant 0 : index
    %get3A_51 = arith.constant 0 : index
    %get3A_52 = vector.load %arg3[%get3A_49, %get3A_50, %get3A_51] : memref<9x384x96xf32, #tpu.memory_space<vmem>>, vector<1x384x96xf32>
    %get3A_53 = vector.shape_cast %get3A_52 : vector<1x384x96xf32> to vector<384x96xf32>
    %dot_general3A_54 = arith.constant dense<0.000000e+00> : vector<1024x96xf32>
    %dot_general3A_55 = tpu.matmul %slice3A_48, %get3A_53, %dot_general3A_54 {dimension_numbers = #tpu.dot_dimension_numbers<[0], [0], [1], [1], [0, 1, 1, 1], [], []>, transpose_lhs_hint = false} : vector<384x1024xf32>, vector<384x96xf32>, vector<1024x96xf32> -> vector<1024x96xf32>
    %add3A_56 = arith.addf %add3A_47, %dot_general3A_55 : vector<1024x96xf32>
    %slice3A_57 = vector.extract_strided_slice %concatenate3A {offsets = [0, 452], sizes = [384, 1024], strides = [1, 1]} : vector<384x2048xf32> to vector<384x1024xf32>
    %get3A_58 = arith.constant 6 : index
    %get3A_59 = arith.constant 0 : index
    %get3A_60 = arith.constant 0 : index
    %get3A_61 = vector.load %arg3[%get3A_58, %get3A_59, %get3A_60] : memref<9x384x96xf32, #tpu.memory_space<vmem>>, vector<1x384x96xf32>
    %get3A_62 = vector.shape_cast %get3A_61 : vector<1x384x96xf32> to vector<384x96xf32>
    %dot_general3A_63 = arith.constant dense<0.000000e+00> : vector<1024x96xf32>
    %dot_general3A_64 = tpu.matmul %slice3A_57, %get3A_62, %dot_general3A_63 {dimension_numbers = #tpu.dot_dimension_numbers<[0], [0], [1], [1], [0, 1, 1, 1], [], []>, transpose_lhs_hint = false} : vector<384x1024xf32>, vector<384x96xf32>, vector<1024x96xf32> -> vector<1024x96xf32>
    %add3A_65 = arith.addf %add3A_56, %dot_general3A_64 : vector<1024x96xf32>
    %slice3A_66 = vector.extract_strided_slice %concatenate3A {offsets = [0, 453], sizes = [384, 1024], strides = [1, 1]} : vector<384x2048xf32> to vector<384x1024xf32>
    %get3A_67 = arith.constant 7 : index
    %get3A_68 = arith.constant 0 : index
    %get3A_69 = arith.constant 0 : index
    %get3A_70 = vector.load %arg3[%get3A_67, %get3A_68, %get3A_69] : memref<9x384x96xf32, #tpu.memory_space<vmem>>, vector<1x384x96xf32>
    %get3A_71 = vector.shape_cast %get3A_70 : vector<1x384x96xf32> to vector<384x96xf32>
    %dot_general3A_72 = arith.constant dense<0.000000e+00> : vector<1024x96xf32>
    %dot_general3A_73 = tpu.matmul %slice3A_66, %get3A_71, %dot_general3A_72 {dimension_numbers = #tpu.dot_dimension_numbers<[0], [0], [1], [1], [0, 1, 1, 1], [], []>, transpose_lhs_hint = false} : vector<384x1024xf32>, vector<384x96xf32>, vector<1024x96xf32> -> vector<1024x96xf32>
    %add3A_74 = arith.addf %add3A_65, %dot_general3A_73 : vector<1024x96xf32>
    %slice3A_75 = vector.extract_strided_slice %concatenate3A {offsets = [0, 454], sizes = [384, 1024], strides = [1, 1]} : vector<384x2048xf32> to vector<384x1024xf32>
    %get3A_76 = arith.constant 8 : index
    %get3A_77 = arith.constant 0 : index
    %get3A_78 = arith.constant 0 : index
    %get3A_79 = vector.load %arg3[%get3A_76, %get3A_77, %get3A_78] : memref<9x384x96xf32, #tpu.memory_space<vmem>>, vector<1x384x96xf32>
    %get3A_80 = vector.shape_cast %get3A_79 : vector<1x384x96xf32> to vector<384x96xf32>
    %dot_general3A_81 = arith.constant dense<0.000000e+00> : vector<1024x96xf32>
    %dot_general3A_82 = tpu.matmul %slice3A_75, %get3A_80, %dot_general3A_81 {dimension_numbers = #tpu.dot_dimension_numbers<[0], [0], [1], [1], [0, 1, 1, 1], [], []>, transpose_lhs_hint = false} : vector<384x1024xf32>, vector<384x96xf32>, vector<1024x96xf32> -> vector<1024x96xf32>
    %add3A_83 = arith.addf %add3A_74, %dot_general3A_82 : vector<1024x96xf32>
    %swap3A = arith.constant 0 : index
    %swap3A_84 = arith.constant 0 : index
    %swap3A_85 = vector.load %arg5[%swap3A, %swap3A_84] : memref<1024x96xf32, #tpu.memory_space<vmem>>, vector<1024x96xf32>
    tpu.vector_store %arg5[%swap3A, %swap3A_84], %add3A_83 {strides = array<i32>} : memref<1024x96xf32, #tpu.memory_space<vmem>>, vector<1024x96xf32>,
    %slice3A_86 = vector.extract_strided_slice %concatenate3A {offsets = [0, 227], sizes = [384, 1024], strides = [1, 1]} : vector<384x2048xf32> to vector<384x1024xf32>
    %get3A_87 = arith.constant 0 : index
    %get3A_88 = arith.constant 0 : index
    %get3A_89 = vector.load %arg4[%get3A_87, %get3A_88] : memref<384x384xf32, #tpu.memory_space<vmem>>, vector<384x384xf32>
    %dot_general3A_90 = arith.constant dense<0.000000e+00> : vector<1024x384xf32>
    %dot_general3A_91 = tpu.matmul %slice3A_86, %get3A_89, %dot_general3A_90 {dimension_numbers = #tpu.dot_dimension_numbers<[0], [0], [1], [1], [0, 1, 1, 1], [], []>, transpose_lhs_hint = false} : vector<384x1024xf32>, vector<384x384xf32>, vector<1024x384xf32> -> vector<1024x384xf32>
    %swap3A_92 = arith.constant 0 : index
    %swap3A_93 = arith.constant 0 : index
    %swap3A_94 = vector.load %arg6[%swap3A_92, %swap3A_93] : memref<1024x384xf32, #tpu.memory_space<vmem>>, vector<1024x384xf32>
    tpu.vector_store %arg6[%swap3A_92, %swap3A_93], %dot_general3A_91 {strides = array<i32>} : memref<1024x384xf32, #tpu.memory_space<vmem>>, vector<1024x384xf32>,
    return
  }
  func.func @transform_0(%arg0: i32) -> (i32, i32) {
    %c0_i32 = arith.constant 0 : i32
    %c0_i32_0 = arith.constant 0 : i32
    return %c0_i32, %arg0 : i32, i32
  }
  func.func @transform_1(%arg0: i32) -> (i32, i32) {
    %c0_i32 = arith.constant 0 : i32
    %c0_i32_0 = arith.constant 0 : i32
    return %c0_i32, %arg0 : i32, i32
  }
  func.func @transform_2(%arg0: i32) -> (i32, i32, i32) {
    %c0_i32 = arith.constant 0 : i32
    %c0_i32_0 = arith.constant 0 : i32
    %c0_i32_1 = arith.constant 0 : i32
    %c0_i32_2 = arith.constant 0 : i32
    return %c0_i32, %c0_i32_0, %c0_i32_1 : i32, i32, i32
  }
  func.func @transform_3(%arg0: i32) -> (i32, i32) {
    %c0_i32 = arith.constant 0 : i32
    %c0_i32_0 = arith.constant 0 : i32
    %c0_i32_1 = arith.constant 0 : i32
    return %c0_i32, %c0_i32_0 : i32, i32
  }
  func.func @transform_4(%arg0: i32) -> (i32, i32) {
    %c0_i32 = arith.constant 0 : i32
    %c0_i32_0 = arith.constant 0 : i32
    return %arg0, %c0_i32 : i32, i32
  }
  func.func @transform_5(%arg0: i32) -> (i32, i32) {
    %c0_i32 = arith.constant 0 : i32
    %c0_i32_0 = arith.constant 0 : i32
    return %arg0, %c0_i32 : i32, i32
  }
}

module attributes {stable_mosaic.version = 14 : i64} {
  func.func @_attn_body(%arg0: i32, %arg1: i32, %arg2: memref<1x512x96xf32, #tpu.memory_space<vmem>>, %arg3: memref<1x64x96xf32, #tpu.memory_space<vmem>>, %arg4: memref<1x64x96xf32, #tpu.memory_space<vmem>>, %arg5: memref<1x512x384xf32, #tpu.memory_space<vmem>>, %arg6: memref<1x64x384xf32, #tpu.memory_space<vmem>>, %arg7: memref<1x64x384xf32, #tpu.memory_space<vmem>>, %arg8: memref<1x512x384xf32, #tpu.memory_space<vmem>>) attributes {dimension_semantics = [#tpu.dimension_semantics<arbitrary>, #tpu.dimension_semantics<arbitrary>], iteration_bounds = array<i64: 4, 98>, scalar_prefetch = 0 : i64, scratch_operands = 0 : i64, tpu.core_type = #tpu.core_type<tc>, window_params = [{transform_indices = @transform_0, window_bounds = array<i64: 1, 512, 96>}, {transform_indices = @transform_1, window_bounds = array<i64: 1, 64, 96>}, {transform_indices = @transform_2, window_bounds = array<i64: 1, 64, 96>}, {transform_indices = @transform_3, window_bounds = array<i64: 1, 512, 384>}, {transform_indices = @transform_4, window_bounds = array<i64: 1, 64, 384>}, {transform_indices = @transform_5, window_bounds = array<i64: 1, 64, 384>}, {transform_indices = @transform_6, window_bounds = array<i64: 1, 512, 384>}]} {
    %get3A = arith.constant 0 : index
    %get3A_0 = arith.constant 0 : index
    %get3A_1 = arith.constant 0 : index
    %get3A_2 = vector.load %arg2[%get3A, %get3A_0, %get3A_1] : memref<1x512x96xf32, #tpu.memory_space<vmem>>, vector<1x64x96xf32>
    %get3A_3 = vector.shape_cast %get3A_2 : vector<1x64x96xf32> to vector<64x96xf32>
    %get3A_4 = arith.constant 0 : index
    %get3A_5 = arith.constant 0 : index
    %get3A_6 = arith.constant 0 : index
    %get3A_7 = vector.load %arg3[%get3A_4, %get3A_5, %get3A_6] : memref<1x64x96xf32, #tpu.memory_space<vmem>>, vector<1x64x96xf32>
    %get3A_8 = vector.shape_cast %get3A_7 : vector<1x64x96xf32> to vector<64x96xf32>
    %get3A_9 = arith.constant 0 : index
    %get3A_10 = arith.constant 64 : index
    %get3A_11 = arith.constant 0 : index
    %get3A_12 = vector.load %arg2[%get3A_9, %get3A_10, %get3A_11] : memref<1x512x96xf32, #tpu.memory_space<vmem>>, vector<1x64x96xf32>
    %get3A_13 = vector.shape_cast %get3A_12 : vector<1x64x96xf32> to vector<64x96xf32>
    %concatenate3A = tpu.concatenate %get3A_3, %get3A_8, %get3A_13 in 0 : vector<64x96xf32>, vector<64x96xf32>, vector<64x96xf32> -> vector<192x96xf32>
    %mul3A = arith.mulf %concatenate3A, %concatenate3A : vector<192x96xf32>
    %reduce_sum3A = arith.constant dense<0.000000e+00> : vector<192xf32>
    %reduce_sum3A_14 = vector.multi_reduction <add>, %mul3A, %reduce_sum3A [1] : vector<192x96xf32> to vector<192xf32>
    %broadcast_in_dim3A = vector.shape_cast %reduce_sum3A_14 : vector<192xf32> to vector<192x1xf32>
    %sqrt3A = math.sqrt %broadcast_in_dim3A : vector<192x1xf32>
    %max3A = arith.constant 5.000000e-05 : f32
    %max3A_15 = vector.broadcast %max3A : f32 to vector<192x1xf32>
    %max3A_16 = arith.maximumf %sqrt3A, %max3A_15 : vector<192x1xf32>
    %div3A = vector.broadcast %max3A_16 : vector<192x1xf32> to vector<192x96xf32>
    %div3A_17 = arith.divf %concatenate3A, %div3A : vector<192x96xf32>
    %dot_general3A = arith.constant dense<0.000000e+00> : vector<64x192xf32>
    %dot_general3A_18 = tpu.matmul %get3A_3, %div3A_17, %dot_general3A {dimension_numbers = #tpu.dot_dimension_numbers<[1], [1], [0], [0], [0, 0, 1, 0], [], []>, transpose_lhs_hint = false} : vector<64x96xf32>, vector<192x96xf32>, vector<64x192xf32> -> vector<64x192xf32>
    %reduce_max3A = arith.constant dense<0xFF800000> : vector<64xf32>
    %reduce_max3A_19 = vector.multi_reduction <maximumf>, %dot_general3A_18, %reduce_max3A [1] : vector<64x192xf32> to vector<64xf32>
    %broadcast_in_dim3A_20 = vector.shape_cast %reduce_max3A_19 : vector<64xf32> to vector<64x1xf32>
    %sub3A = vector.broadcast %broadcast_in_dim3A_20 : vector<64x1xf32> to vector<64x192xf32>
    %sub3A_21 = arith.subf %dot_general3A_18, %sub3A : vector<64x192xf32>
    %exp3A = math.exp %sub3A_21 : vector<64x192xf32>
    %reduce_sum3A_22 = arith.constant dense<0.000000e+00> : vector<64xf32>
    %reduce_sum3A_23 = vector.multi_reduction <add>, %exp3A, %reduce_sum3A_22 [1] : vector<64x192xf32> to vector<64xf32>
    %broadcast_in_dim3A_24 = vector.shape_cast %reduce_sum3A_23 : vector<64xf32> to vector<64x1xf32>
    %div3A_25 = vector.broadcast %broadcast_in_dim3A_24 : vector<64x1xf32> to vector<64x192xf32>
    %div3A_26 = arith.divf %exp3A, %div3A_25 : vector<64x192xf32>
    %get3A_27 = arith.constant 0 : index
    %get3A_28 = arith.constant 0 : index
    %get3A_29 = arith.constant 0 : index
    %get3A_30 = vector.load %arg6[%get3A_27, %get3A_28, %get3A_29] : memref<1x64x384xf32, #tpu.memory_space<vmem>>, vector<1x64x384xf32>
    %get3A_31 = vector.shape_cast %get3A_30 : vector<1x64x384xf32> to vector<64x384xf32>
    %get3A_32 = arith.constant 0 : index
    %get3A_33 = arith.constant 64 : index
    %get3A_34 = arith.constant 0 : index
    %get3A_35 = vector.load %arg5[%get3A_32, %get3A_33, %get3A_34] : memref<1x512x384xf32, #tpu.memory_space<vmem>>, vector<1x64x384xf32>
    %get3A_36 = vector.shape_cast %get3A_35 : vector<1x64x384xf32> to vector<64x384xf32>
    %get3A_37 = arith.constant 0 : index
    %get3A_38 = arith.constant 0 : index
    %get3A_39 = arith.constant 0 : index
    %get3A_40 = vector.load %arg5[%get3A_37, %get3A_38, %get3A_39] : memref<1x512x384xf32, #tpu.memory_space<vmem>>, vector<1x64x384xf32>
    %get3A_41 = vector.shape_cast %get3A_40 : vector<1x64x384xf32> to vector<64x384xf32>
    %concatenate3A_42 = tpu.concatenate %get3A_41, %get3A_31, %get3A_36 in 0 : vector<64x384xf32>, vector<64x384xf32>, vector<64x384xf32> -> vector<192x384xf32>
    %dot_general3A_43 = arith.constant dense<0.000000e+00> : vector<64x384xf32>
    %dot_general3A_44 = tpu.matmul %div3A_26, %concatenate3A_42, %dot_general3A_43 {dimension_numbers = #tpu.dot_dimension_numbers<[1], [0], [0], [1], [0, 0, 1, 1], [], []>, transpose_lhs_hint = false} : vector<64x192xf32>, vector<192x384xf32>, vector<64x384xf32> -> vector<64x384xf32>
    %swap3A = arith.constant 0 : index
    %swap3A_45 = arith.constant 0 : index
    %swap3A_46 = arith.constant 0 : index
    %swap3A_47 = vector.load %arg8[%swap3A, %swap3A_45, %swap3A_46] : memref<1x512x384xf32, #tpu.memory_space<vmem>>, vector<1x64x384xf32>
    %swap3A_48 = vector.shape_cast %swap3A_47 : vector<1x64x384xf32> to vector<64x384xf32>
    %swap3A_49 = vector.shape_cast %dot_general3A_44 : vector<64x384xf32> to vector<1x64x384xf32>
    tpu.vector_store %arg8[%swap3A, %swap3A_45, %swap3A_46], %swap3A_49 {strides = array<i32>} : memref<1x512x384xf32, #tpu.memory_space<vmem>>, vector<1x64x384xf32>,
    %get3A_50 = arith.constant 0 : index
    %get3A_51 = arith.constant 64 : index
    %get3A_52 = arith.constant 0 : index
    %get3A_53 = vector.load %arg2[%get3A_50, %get3A_51, %get3A_52] : memref<1x512x96xf32, #tpu.memory_space<vmem>>, vector<1x64x96xf32>
    %get3A_54 = vector.shape_cast %get3A_53 : vector<1x64x96xf32> to vector<64x96xf32>
    %get3A_55 = arith.constant 0 : index
    %get3A_56 = arith.constant 0 : index
    %get3A_57 = arith.constant 0 : index
    %get3A_58 = vector.load %arg2[%get3A_55, %get3A_56, %get3A_57] : memref<1x512x96xf32, #tpu.memory_space<vmem>>, vector<1x64x96xf32>
    %get3A_59 = vector.shape_cast %get3A_58 : vector<1x64x96xf32> to vector<64x96xf32>
    %get3A_60 = arith.constant 0 : index
    %get3A_61 = arith.constant 128 : index
    %get3A_62 = arith.constant 0 : index
    %get3A_63 = vector.load %arg2[%get3A_60, %get3A_61, %get3A_62] : memref<1x512x96xf32, #tpu.memory_space<vmem>>, vector<1x64x96xf32>
    %get3A_64 = vector.shape_cast %get3A_63 : vector<1x64x96xf32> to vector<64x96xf32>
    %concatenate3A_65 = tpu.concatenate %get3A_54, %get3A_59, %get3A_64 in 0 : vector<64x96xf32>, vector<64x96xf32>, vector<64x96xf32> -> vector<192x96xf32>
    %mul3A_66 = arith.mulf %concatenate3A_65, %concatenate3A_65 : vector<192x96xf32>
    %reduce_sum3A_67 = arith.constant dense<0.000000e+00> : vector<192xf32>
    %reduce_sum3A_68 = vector.multi_reduction <add>, %mul3A_66, %reduce_sum3A_67 [1] : vector<192x96xf32> to vector<192xf32>
    %broadcast_in_dim3A_69 = vector.shape_cast %reduce_sum3A_68 : vector<192xf32> to vector<192x1xf32>
    %sqrt3A_70 = math.sqrt %broadcast_in_dim3A_69 : vector<192x1xf32>
    %max3A_71 = arith.constant 5.000000e-05 : f32
    %max3A_72 = vector.broadcast %max3A_71 : f32 to vector<192x1xf32>
    %max3A_73 = arith.maximumf %sqrt3A_70, %max3A_72 : vector<192x1xf32>
    %div3A_74 = vector.broadcast %max3A_73 : vector<192x1xf32> to vector<192x96xf32>
    %div3A_75 = arith.divf %concatenate3A_65, %div3A_74 : vector<192x96xf32>
    %dot_general3A_76 = arith.constant dense<0.000000e+00> : vector<64x192xf32>
    %dot_general3A_77 = tpu.matmul %get3A_54, %div3A_75, %dot_general3A_76 {dimension_numbers = #tpu.dot_dimension_numbers<[1], [1], [0], [0], [0, 0, 1, 0], [], []>, transpose_lhs_hint = false} : vector<64x96xf32>, vector<192x96xf32>, vector<64x192xf32> -> vector<64x192xf32>
    %reduce_max3A_78 = arith.constant dense<0xFF800000> : vector<64xf32>
    %reduce_max3A_79 = vector.multi_reduction <maximumf>, %dot_general3A_77, %reduce_max3A_78 [1] : vector<64x192xf32> to vector<64xf32>
    %broadcast_in_dim3A_80 = vector.shape_cast %reduce_max3A_79 : vector<64xf32> to vector<64x1xf32>
    %sub3A_81 = vector.broadcast %broadcast_in_dim3A_80 : vector<64x1xf32> to vector<64x192xf32>
    %sub3A_82 = arith.subf %dot_general3A_77, %sub3A_81 : vector<64x192xf32>
    %exp3A_83 = math.exp %sub3A_82 : vector<64x192xf32>
    %reduce_sum3A_84 = arith.constant dense<0.000000e+00> : vector<64xf32>
    %reduce_sum3A_85 = vector.multi_reduction <add>, %exp3A_83, %reduce_sum3A_84 [1] : vector<64x192xf32> to vector<64xf32>
    %broadcast_in_dim3A_86 = vector.shape_cast %reduce_sum3A_85 : vector<64xf32> to vector<64x1xf32>
    %div3A_87 = vector.broadcast %broadcast_in_dim3A_86 : vector<64x1xf32> to vector<64x192xf32>
    %div3A_88 = arith.divf %exp3A_83, %div3A_87 : vector<64x192xf32>
    %get3A_89 = arith.constant 0 : index
    %get3A_90 = arith.constant 0 : index
    %get3A_91 = arith.constant 0 : index
    %get3A_92 = vector.load %arg5[%get3A_89, %get3A_90, %get3A_91] : memref<1x512x384xf32, #tpu.memory_space<vmem>>, vector<1x64x384xf32>
    %get3A_93 = vector.shape_cast %get3A_92 : vector<1x64x384xf32> to vector<64x384xf32>
    %get3A_94 = arith.constant 0 : index
    %get3A_95 = arith.constant 128 : index
    %get3A_96 = arith.constant 0 : index
    %get3A_97 = vector.load %arg5[%get3A_94, %get3A_95, %get3A_96] : memref<1x512x384xf32, #tpu.memory_space<vmem>>, vector<1x64x384xf32>
    %get3A_98 = vector.shape_cast %get3A_97 : vector<1x64x384xf32> to vector<64x384xf32>
    %get3A_99 = arith.constant 0 : index
    %get3A_100 = arith.constant 64 : index
    %get3A_101 = arith.constant 0 : index
    %get3A_102 = vector.load %arg5[%get3A_99, %get3A_100, %get3A_101] : memref<1x512x384xf32, #tpu.memory_space<vmem>>, vector<1x64x384xf32>
    %get3A_103 = vector.shape_cast %get3A_102 : vector<1x64x384xf32> to vector<64x384xf32>
    %concatenate3A_104 = tpu.concatenate %get3A_103, %get3A_93, %get3A_98 in 0 : vector<64x384xf32>, vector<64x384xf32>, vector<64x384xf32> -> vector<192x384xf32>
    %dot_general3A_105 = arith.constant dense<0.000000e+00> : vector<64x384xf32>
    %dot_general3A_106 = tpu.matmul %div3A_88, %concatenate3A_104, %dot_general3A_105 {dimension_numbers = #tpu.dot_dimension_numbers<[1], [0], [0], [1], [0, 0, 1, 1], [], []>, transpose_lhs_hint = false} : vector<64x192xf32>, vector<192x384xf32>, vector<64x384xf32> -> vector<64x384xf32>
    %swap3A_107 = arith.constant 0 : index
    %swap3A_108 = arith.constant 64 : index
    %swap3A_109 = arith.constant 0 : index
    %swap3A_110 = vector.load %arg8[%swap3A_107, %swap3A_108, %swap3A_109] : memref<1x512x384xf32, #tpu.memory_space<vmem>>, vector<1x64x384xf32>
    %swap3A_111 = vector.shape_cast %swap3A_110 : vector<1x64x384xf32> to vector<64x384xf32>
    %swap3A_112 = vector.shape_cast %dot_general3A_106 : vector<64x384xf32> to vector<1x64x384xf32>
    tpu.vector_store %arg8[%swap3A_107, %swap3A_108, %swap3A_109], %swap3A_112 {strides = array<i32>} : memref<1x512x384xf32, #tpu.memory_space<vmem>>, vector<1x64x384xf32>,
    %get3A_113 = arith.constant 0 : index
    %get3A_114 = arith.constant 128 : index
    %get3A_115 = arith.constant 0 : index
    %get3A_116 = vector.load %arg2[%get3A_113, %get3A_114, %get3A_115] : memref<1x512x96xf32, #tpu.memory_space<vmem>>, vector<1x64x96xf32>
    %get3A_117 = vector.shape_cast %get3A_116 : vector<1x64x96xf32> to vector<64x96xf32>
    %get3A_118 = arith.constant 0 : index
    %get3A_119 = arith.constant 64 : index
    %get3A_120 = arith.constant 0 : index
    %get3A_121 = vector.load %arg2[%get3A_118, %get3A_119, %get3A_120] : memref<1x512x96xf32, #tpu.memory_space<vmem>>, vector<1x64x96xf32>
    %get3A_122 = vector.shape_cast %get3A_121 : vector<1x64x96xf32> to vector<64x96xf32>
    %get3A_123 = arith.constant 0 : index
    %get3A_124 = arith.constant 192 : index
    %get3A_125 = arith.constant 0 : index
    %get3A_126 = vector.load %arg2[%get3A_123, %get3A_124, %get3A_125] : memref<1x512x96xf32, #tpu.memory_space<vmem>>, vector<1x64x96xf32>
    %get3A_127 = vector.shape_cast %get3A_126 : vector<1x64x96xf32> to vector<64x96xf32>
    %concatenate3A_128 = tpu.concatenate %get3A_117, %get3A_122, %get3A_127 in 0 : vector<64x96xf32>, vector<64x96xf32>, vector<64x96xf32> -> vector<192x96xf32>
    %mul3A_129 = arith.mulf %concatenate3A_128, %concatenate3A_128 : vector<192x96xf32>
    %reduce_sum3A_130 = arith.constant dense<0.000000e+00> : vector<192xf32>
    %reduce_sum3A_131 = vector.multi_reduction <add>, %mul3A_129, %reduce_sum3A_130 [1] : vector<192x96xf32> to vector<192xf32>
    %broadcast_in_dim3A_132 = vector.shape_cast %reduce_sum3A_131 : vector<192xf32> to vector<192x1xf32>
    %sqrt3A_133 = math.sqrt %broadcast_in_dim3A_132 : vector<192x1xf32>
    %max3A_134 = arith.constant 5.000000e-05 : f32
    %max3A_135 = vector.broadcast %max3A_134 : f32 to vector<192x1xf32>
    %max3A_136 = arith.maximumf %sqrt3A_133, %max3A_135 : vector<192x1xf32>
    %div3A_137 = vector.broadcast %max3A_136 : vector<192x1xf32> to vector<192x96xf32>
    %div3A_138 = arith.divf %concatenate3A_128, %div3A_137 : vector<192x96xf32>
    %dot_general3A_139 = arith.constant dense<0.000000e+00> : vector<64x192xf32>
    %dot_general3A_140 = tpu.matmul %get3A_117, %div3A_138, %dot_general3A_139 {dimension_numbers = #tpu.dot_dimension_numbers<[1], [1], [0], [0], [0, 0, 1, 0], [], []>, transpose_lhs_hint = false} : vector<64x96xf32>, vector<192x96xf32>, vector<64x192xf32> -> vector<64x192xf32>
    %reduce_max3A_141 = arith.constant dense<0xFF800000> : vector<64xf32>
    %reduce_max3A_142 = vector.multi_reduction <maximumf>, %dot_general3A_140, %reduce_max3A_141 [1] : vector<64x192xf32> to vector<64xf32>
    %broadcast_in_dim3A_143 = vector.shape_cast %reduce_max3A_142 : vector<64xf32> to vector<64x1xf32>
    %sub3A_144 = vector.broadcast %broadcast_in_dim3A_143 : vector<64x1xf32> to vector<64x192xf32>
    %sub3A_145 = arith.subf %dot_general3A_140, %sub3A_144 : vector<64x192xf32>
    %exp3A_146 = math.exp %sub3A_145 : vector<64x192xf32>
    %reduce_sum3A_147 = arith.constant dense<0.000000e+00> : vector<64xf32>
    %reduce_sum3A_148 = vector.multi_reduction <add>, %exp3A_146, %reduce_sum3A_147 [1] : vector<64x192xf32> to vector<64xf32>
    %broadcast_in_dim3A_149 = vector.shape_cast %reduce_sum3A_148 : vector<64xf32> to vector<64x1xf32>
    %div3A_150 = vector.broadcast %broadcast_in_dim3A_149 : vector<64x1xf32> to vector<64x192xf32>
    %div3A_151 = arith.divf %exp3A_146, %div3A_150 : vector<64x192xf32>
    %get3A_152 = arith.constant 0 : index
    %get3A_153 = arith.constant 64 : index
    %get3A_154 = arith.constant 0 : index
    %get3A_155 = vector.load %arg5[%get3A_152, %get3A_153, %get3A_154] : memref<1x512x384xf32, #tpu.memory_space<vmem>>, vector<1x64x384xf32>
    %get3A_156 = vector.shape_cast %get3A_155 : vector<1x64x384xf32> to vector<64x384xf32>
    %get3A_157 = arith.constant 0 : index
    %get3A_158 = arith.constant 192 : index
    %get3A_159 = arith.constant 0 : index
    %get3A_160 = vector.load %arg5[%get3A_157, %get3A_158, %get3A_159] : memref<1x512x384xf32, #tpu.memory_space<vmem>>, vector<1x64x384xf32>
    %get3A_161 = vector.shape_cast %get3A_160 : vector<1x64x384xf32> to vector<64x384xf32>
    %get3A_162 = arith.constant 0 : index
    %get3A_163 = arith.constant 128 : index
    %get3A_164 = arith.constant 0 : index
    %get3A_165 = vector.load %arg5[%get3A_162, %get3A_163, %get3A_164] : memref<1x512x384xf32, #tpu.memory_space<vmem>>, vector<1x64x384xf32>
    %get3A_166 = vector.shape_cast %get3A_165 : vector<1x64x384xf32> to vector<64x384xf32>
    %concatenate3A_167 = tpu.concatenate %get3A_166, %get3A_156, %get3A_161 in 0 : vector<64x384xf32>, vector<64x384xf32>, vector<64x384xf32> -> vector<192x384xf32>
    %dot_general3A_168 = arith.constant dense<0.000000e+00> : vector<64x384xf32>
    %dot_general3A_169 = tpu.matmul %div3A_151, %concatenate3A_167, %dot_general3A_168 {dimension_numbers = #tpu.dot_dimension_numbers<[1], [0], [0], [1], [0, 0, 1, 1], [], []>, transpose_lhs_hint = false} : vector<64x192xf32>, vector<192x384xf32>, vector<64x384xf32> -> vector<64x384xf32>
    %swap3A_170 = arith.constant 0 : index
    %swap3A_171 = arith.constant 128 : index
    %swap3A_172 = arith.constant 0 : index
    %swap3A_173 = vector.load %arg8[%swap3A_170, %swap3A_171, %swap3A_172] : memref<1x512x384xf32, #tpu.memory_space<vmem>>, vector<1x64x384xf32>
    %swap3A_174 = vector.shape_cast %swap3A_173 : vector<1x64x384xf32> to vector<64x384xf32>
    %swap3A_175 = vector.shape_cast %dot_general3A_169 : vector<64x384xf32> to vector<1x64x384xf32>
    tpu.vector_store %arg8[%swap3A_170, %swap3A_171, %swap3A_172], %swap3A_175 {strides = array<i32>} : memref<1x512x384xf32, #tpu.memory_space<vmem>>, vector<1x64x384xf32>,
    %get3A_176 = arith.constant 0 : index
    %get3A_177 = arith.constant 192 : index
    %get3A_178 = arith.constant 0 : index
    %get3A_179 = vector.load %arg2[%get3A_176, %get3A_177, %get3A_178] : memref<1x512x96xf32, #tpu.memory_space<vmem>>, vector<1x64x96xf32>
    %get3A_180 = vector.shape_cast %get3A_179 : vector<1x64x96xf32> to vector<64x96xf32>
    %get3A_181 = arith.constant 0 : index
    %get3A_182 = arith.constant 128 : index
    %get3A_183 = arith.constant 0 : index
    %get3A_184 = vector.load %arg2[%get3A_181, %get3A_182, %get3A_183] : memref<1x512x96xf32, #tpu.memory_space<vmem>>, vector<1x64x96xf32>
    %get3A_185 = vector.shape_cast %get3A_184 : vector<1x64x96xf32> to vector<64x96xf32>
    %get3A_186 = arith.constant 0 : index
    %get3A_187 = arith.constant 256 : index
    %get3A_188 = arith.constant 0 : index
    %get3A_189 = vector.load %arg2[%get3A_186, %get3A_187, %get3A_188] : memref<1x512x96xf32, #tpu.memory_space<vmem>>, vector<1x64x96xf32>
    %get3A_190 = vector.shape_cast %get3A_189 : vector<1x64x96xf32> to vector<64x96xf32>
    %concatenate3A_191 = tpu.concatenate %get3A_180, %get3A_185, %get3A_190 in 0 : vector<64x96xf32>, vector<64x96xf32>, vector<64x96xf32> -> vector<192x96xf32>
    %mul3A_192 = arith.mulf %concatenate3A_191, %concatenate3A_191 : vector<192x96xf32>
    %reduce_sum3A_193 = arith.constant dense<0.000000e+00> : vector<192xf32>
    %reduce_sum3A_194 = vector.multi_reduction <add>, %mul3A_192, %reduce_sum3A_193 [1] : vector<192x96xf32> to vector<192xf32>
    %broadcast_in_dim3A_195 = vector.shape_cast %reduce_sum3A_194 : vector<192xf32> to vector<192x1xf32>
    %sqrt3A_196 = math.sqrt %broadcast_in_dim3A_195 : vector<192x1xf32>
    %max3A_197 = arith.constant 5.000000e-05 : f32
    %max3A_198 = vector.broadcast %max3A_197 : f32 to vector<192x1xf32>
    %max3A_199 = arith.maximumf %sqrt3A_196, %max3A_198 : vector<192x1xf32>
    %div3A_200 = vector.broadcast %max3A_199 : vector<192x1xf32> to vector<192x96xf32>
    %div3A_201 = arith.divf %concatenate3A_191, %div3A_200 : vector<192x96xf32>
    %dot_general3A_202 = arith.constant dense<0.000000e+00> : vector<64x192xf32>
    %dot_general3A_203 = tpu.matmul %get3A_180, %div3A_201, %dot_general3A_202 {dimension_numbers = #tpu.dot_dimension_numbers<[1], [1], [0], [0], [0, 0, 1, 0], [], []>, transpose_lhs_hint = false} : vector<64x96xf32>, vector<192x96xf32>, vector<64x192xf32> -> vector<64x192xf32>
    %reduce_max3A_204 = arith.constant dense<0xFF800000> : vector<64xf32>
    %reduce_max3A_205 = vector.multi_reduction <maximumf>, %dot_general3A_203, %reduce_max3A_204 [1] : vector<64x192xf32> to vector<64xf32>
    %broadcast_in_dim3A_206 = vector.shape_cast %reduce_max3A_205 : vector<64xf32> to vector<64x1xf32>
    %sub3A_207 = vector.broadcast %broadcast_in_dim3A_206 : vector<64x1xf32> to vector<64x192xf32>
    %sub3A_208 = arith.subf %dot_general3A_203, %sub3A_207 : vector<64x192xf32>
    %exp3A_209 = math.exp %sub3A_208 : vector<64x192xf32>
    %reduce_sum3A_210 = arith.constant dense<0.000000e+00> : vector<64xf32>
    %reduce_sum3A_211 = vector.multi_reduction <add>, %exp3A_209, %reduce_sum3A_210 [1] : vector<64x192xf32> to vector<64xf32>
    %broadcast_in_dim3A_212 = vector.shape_cast %reduce_sum3A_211 : vector<64xf32> to vector<64x1xf32>
    %div3A_213 = vector.broadcast %broadcast_in_dim3A_212 : vector<64x1xf32> to vector<64x192xf32>
    %div3A_214 = arith.divf %exp3A_209, %div3A_213 : vector<64x192xf32>
    %get3A_215 = arith.constant 0 : index
    %get3A_216 = arith.constant 128 : index
    %get3A_217 = arith.constant 0 : index
    %get3A_218 = vector.load %arg5[%get3A_215, %get3A_216, %get3A_217] : memref<1x512x384xf32, #tpu.memory_space<vmem>>, vector<1x64x384xf32>
    %get3A_219 = vector.shape_cast %get3A_218 : vector<1x64x384xf32> to vector<64x384xf32>
    %get3A_220 = arith.constant 0 : index
    %get3A_221 = arith.constant 256 : index
    %get3A_222 = arith.constant 0 : index
    %get3A_223 = vector.load %arg5[%get3A_220, %get3A_221, %get3A_222] : memref<1x512x384xf32, #tpu.memory_space<vmem>>, vector<1x64x384xf32>
    %get3A_224 = vector.shape_cast %get3A_223 : vector<1x64x384xf32> to vector<64x384xf32>
    %get3A_225 = arith.constant 0 : index
    %get3A_226 = arith.constant 192 : index
    %get3A_227 = arith.constant 0 : index
    %get3A_228 = vector.load %arg5[%get3A_225, %get3A_226, %get3A_227] : memref<1x512x384xf32, #tpu.memory_space<vmem>>, vector<1x64x384xf32>
    %get3A_229 = vector.shape_cast %get3A_228 : vector<1x64x384xf32> to vector<64x384xf32>
    %concatenate3A_230 = tpu.concatenate %get3A_229, %get3A_219, %get3A_224 in 0 : vector<64x384xf32>, vector<64x384xf32>, vector<64x384xf32> -> vector<192x384xf32>
    %dot_general3A_231 = arith.constant dense<0.000000e+00> : vector<64x384xf32>
    %dot_general3A_232 = tpu.matmul %div3A_214, %concatenate3A_230, %dot_general3A_231 {dimension_numbers = #tpu.dot_dimension_numbers<[1], [0], [0], [1], [0, 0, 1, 1], [], []>, transpose_lhs_hint = false} : vector<64x192xf32>, vector<192x384xf32>, vector<64x384xf32> -> vector<64x384xf32>
    %swap3A_233 = arith.constant 0 : index
    %swap3A_234 = arith.constant 192 : index
    %swap3A_235 = arith.constant 0 : index
    %swap3A_236 = vector.load %arg8[%swap3A_233, %swap3A_234, %swap3A_235] : memref<1x512x384xf32, #tpu.memory_space<vmem>>, vector<1x64x384xf32>
    %swap3A_237 = vector.shape_cast %swap3A_236 : vector<1x64x384xf32> to vector<64x384xf32>
    %swap3A_238 = vector.shape_cast %dot_general3A_232 : vector<64x384xf32> to vector<1x64x384xf32>
    tpu.vector_store %arg8[%swap3A_233, %swap3A_234, %swap3A_235], %swap3A_238 {strides = array<i32>} : memref<1x512x384xf32, #tpu.memory_space<vmem>>, vector<1x64x384xf32>,
    %get3A_239 = arith.constant 0 : index
    %get3A_240 = arith.constant 256 : index
    %get3A_241 = arith.constant 0 : index
    %get3A_242 = vector.load %arg2[%get3A_239, %get3A_240, %get3A_241] : memref<1x512x96xf32, #tpu.memory_space<vmem>>, vector<1x64x96xf32>
    %get3A_243 = vector.shape_cast %get3A_242 : vector<1x64x96xf32> to vector<64x96xf32>
    %get3A_244 = arith.constant 0 : index
    %get3A_245 = arith.constant 192 : index
    %get3A_246 = arith.constant 0 : index
    %get3A_247 = vector.load %arg2[%get3A_244, %get3A_245, %get3A_246] : memref<1x512x96xf32, #tpu.memory_space<vmem>>, vector<1x64x96xf32>
    %get3A_248 = vector.shape_cast %get3A_247 : vector<1x64x96xf32> to vector<64x96xf32>
    %get3A_249 = arith.constant 0 : index
    %get3A_250 = arith.constant 320 : index
    %get3A_251 = arith.constant 0 : index
    %get3A_252 = vector.load %arg2[%get3A_249, %get3A_250, %get3A_251] : memref<1x512x96xf32, #tpu.memory_space<vmem>>, vector<1x64x96xf32>
    %get3A_253 = vector.shape_cast %get3A_252 : vector<1x64x96xf32> to vector<64x96xf32>
    %concatenate3A_254 = tpu.concatenate %get3A_243, %get3A_248, %get3A_253 in 0 : vector<64x96xf32>, vector<64x96xf32>, vector<64x96xf32> -> vector<192x96xf32>
    %mul3A_255 = arith.mulf %concatenate3A_254, %concatenate3A_254 : vector<192x96xf32>
    %reduce_sum3A_256 = arith.constant dense<0.000000e+00> : vector<192xf32>
    %reduce_sum3A_257 = vector.multi_reduction <add>, %mul3A_255, %reduce_sum3A_256 [1] : vector<192x96xf32> to vector<192xf32>
    %broadcast_in_dim3A_258 = vector.shape_cast %reduce_sum3A_257 : vector<192xf32> to vector<192x1xf32>
    %sqrt3A_259 = math.sqrt %broadcast_in_dim3A_258 : vector<192x1xf32>
    %max3A_260 = arith.constant 5.000000e-05 : f32
    %max3A_261 = vector.broadcast %max3A_260 : f32 to vector<192x1xf32>
    %max3A_262 = arith.maximumf %sqrt3A_259, %max3A_261 : vector<192x1xf32>
    %div3A_263 = vector.broadcast %max3A_262 : vector<192x1xf32> to vector<192x96xf32>
    %div3A_264 = arith.divf %concatenate3A_254, %div3A_263 : vector<192x96xf32>
    %dot_general3A_265 = arith.constant dense<0.000000e+00> : vector<64x192xf32>
    %dot_general3A_266 = tpu.matmul %get3A_243, %div3A_264, %dot_general3A_265 {dimension_numbers = #tpu.dot_dimension_numbers<[1], [1], [0], [0], [0, 0, 1, 0], [], []>, transpose_lhs_hint = false} : vector<64x96xf32>, vector<192x96xf32>, vector<64x192xf32> -> vector<64x192xf32>
    %reduce_max3A_267 = arith.constant dense<0xFF800000> : vector<64xf32>
    %reduce_max3A_268 = vector.multi_reduction <maximumf>, %dot_general3A_266, %reduce_max3A_267 [1] : vector<64x192xf32> to vector<64xf32>
    %broadcast_in_dim3A_269 = vector.shape_cast %reduce_max3A_268 : vector<64xf32> to vector<64x1xf32>
    %sub3A_270 = vector.broadcast %broadcast_in_dim3A_269 : vector<64x1xf32> to vector<64x192xf32>
    %sub3A_271 = arith.subf %dot_general3A_266, %sub3A_270 : vector<64x192xf32>
    %exp3A_272 = math.exp %sub3A_271 : vector<64x192xf32>
    %reduce_sum3A_273 = arith.constant dense<0.000000e+00> : vector<64xf32>
    %reduce_sum3A_274 = vector.multi_reduction <add>, %exp3A_272, %reduce_sum3A_273 [1] : vector<64x192xf32> to vector<64xf32>
    %broadcast_in_dim3A_275 = vector.shape_cast %reduce_sum3A_274 : vector<64xf32> to vector<64x1xf32>
    %div3A_276 = vector.broadcast %broadcast_in_dim3A_275 : vector<64x1xf32> to vector<64x192xf32>
    %div3A_277 = arith.divf %exp3A_272, %div3A_276 : vector<64x192xf32>
    %get3A_278 = arith.constant 0 : index
    %get3A_279 = arith.constant 192 : index
    %get3A_280 = arith.constant 0 : index
    %get3A_281 = vector.load %arg5[%get3A_278, %get3A_279, %get3A_280] : memref<1x512x384xf32, #tpu.memory_space<vmem>>, vector<1x64x384xf32>
    %get3A_282 = vector.shape_cast %get3A_281 : vector<1x64x384xf32> to vector<64x384xf32>
    %get3A_283 = arith.constant 0 : index
    %get3A_284 = arith.constant 320 : index
    %get3A_285 = arith.constant 0 : index
    %get3A_286 = vector.load %arg5[%get3A_283, %get3A_284, %get3A_285] : memref<1x512x384xf32, #tpu.memory_space<vmem>>, vector<1x64x384xf32>
    %get3A_287 = vector.shape_cast %get3A_286 : vector<1x64x384xf32> to vector<64x384xf32>
    %get3A_288 = arith.constant 0 : index
    %get3A_289 = arith.constant 256 : index
    %get3A_290 = arith.constant 0 : index
    %get3A_291 = vector.load %arg5[%get3A_288, %get3A_289, %get3A_290] : memref<1x512x384xf32, #tpu.memory_space<vmem>>, vector<1x64x384xf32>
    %get3A_292 = vector.shape_cast %get3A_291 : vector<1x64x384xf32> to vector<64x384xf32>
    %concatenate3A_293 = tpu.concatenate %get3A_292, %get3A_282, %get3A_287 in 0 : vector<64x384xf32>, vector<64x384xf32>, vector<64x384xf32> -> vector<192x384xf32>
    %dot_general3A_294 = arith.constant dense<0.000000e+00> : vector<64x384xf32>
    %dot_general3A_295 = tpu.matmul %div3A_277, %concatenate3A_293, %dot_general3A_294 {dimension_numbers = #tpu.dot_dimension_numbers<[1], [0], [0], [1], [0, 0, 1, 1], [], []>, transpose_lhs_hint = false} : vector<64x192xf32>, vector<192x384xf32>, vector<64x384xf32> -> vector<64x384xf32>
    %swap3A_296 = arith.constant 0 : index
    %swap3A_297 = arith.constant 256 : index
    %swap3A_298 = arith.constant 0 : index
    %swap3A_299 = vector.load %arg8[%swap3A_296, %swap3A_297, %swap3A_298] : memref<1x512x384xf32, #tpu.memory_space<vmem>>, vector<1x64x384xf32>
    %swap3A_300 = vector.shape_cast %swap3A_299 : vector<1x64x384xf32> to vector<64x384xf32>
    %swap3A_301 = vector.shape_cast %dot_general3A_295 : vector<64x384xf32> to vector<1x64x384xf32>
    tpu.vector_store %arg8[%swap3A_296, %swap3A_297, %swap3A_298], %swap3A_301 {strides = array<i32>} : memref<1x512x384xf32, #tpu.memory_space<vmem>>, vector<1x64x384xf32>,
    %get3A_302 = arith.constant 0 : index
    %get3A_303 = arith.constant 320 : index
    %get3A_304 = arith.constant 0 : index
    %get3A_305 = vector.load %arg2[%get3A_302, %get3A_303, %get3A_304] : memref<1x512x96xf32, #tpu.memory_space<vmem>>, vector<1x64x96xf32>
    %get3A_306 = vector.shape_cast %get3A_305 : vector<1x64x96xf32> to vector<64x96xf32>
    %get3A_307 = arith.constant 0 : index
    %get3A_308 = arith.constant 256 : index
    %get3A_309 = arith.constant 0 : index
    %get3A_310 = vector.load %arg2[%get3A_307, %get3A_308, %get3A_309] : memref<1x512x96xf32, #tpu.memory_space<vmem>>, vector<1x64x96xf32>
    %get3A_311 = vector.shape_cast %get3A_310 : vector<1x64x96xf32> to vector<64x96xf32>
    %get3A_312 = arith.constant 0 : index
    %get3A_313 = arith.constant 384 : index
    %get3A_314 = arith.constant 0 : index
    %get3A_315 = vector.load %arg2[%get3A_312, %get3A_313, %get3A_314] : memref<1x512x96xf32, #tpu.memory_space<vmem>>, vector<1x64x96xf32>
    %get3A_316 = vector.shape_cast %get3A_315 : vector<1x64x96xf32> to vector<64x96xf32>
    %concatenate3A_317 = tpu.concatenate %get3A_306, %get3A_311, %get3A_316 in 0 : vector<64x96xf32>, vector<64x96xf32>, vector<64x96xf32> -> vector<192x96xf32>
    %mul3A_318 = arith.mulf %concatenate3A_317, %concatenate3A_317 : vector<192x96xf32>
    %reduce_sum3A_319 = arith.constant dense<0.000000e+00> : vector<192xf32>
    %reduce_sum3A_320 = vector.multi_reduction <add>, %mul3A_318, %reduce_sum3A_319 [1] : vector<192x96xf32> to vector<192xf32>
    %broadcast_in_dim3A_321 = vector.shape_cast %reduce_sum3A_320 : vector<192xf32> to vector<192x1xf32>
    %sqrt3A_322 = math.sqrt %broadcast_in_dim3A_321 : vector<192x1xf32>
    %max3A_323 = arith.constant 5.000000e-05 : f32
    %max3A_324 = vector.broadcast %max3A_323 : f32 to vector<192x1xf32>
    %max3A_325 = arith.maximumf %sqrt3A_322, %max3A_324 : vector<192x1xf32>
    %div3A_326 = vector.broadcast %max3A_325 : vector<192x1xf32> to vector<192x96xf32>
    %div3A_327 = arith.divf %concatenate3A_317, %div3A_326 : vector<192x96xf32>
    %dot_general3A_328 = arith.constant dense<0.000000e+00> : vector<64x192xf32>
    %dot_general3A_329 = tpu.matmul %get3A_306, %div3A_327, %dot_general3A_328 {dimension_numbers = #tpu.dot_dimension_numbers<[1], [1], [0], [0], [0, 0, 1, 0], [], []>, transpose_lhs_hint = false} : vector<64x96xf32>, vector<192x96xf32>, vector<64x192xf32> -> vector<64x192xf32>
    %reduce_max3A_330 = arith.constant dense<0xFF800000> : vector<64xf32>
    %reduce_max3A_331 = vector.multi_reduction <maximumf>, %dot_general3A_329, %reduce_max3A_330 [1] : vector<64x192xf32> to vector<64xf32>
    %broadcast_in_dim3A_332 = vector.shape_cast %reduce_max3A_331 : vector<64xf32> to vector<64x1xf32>
    %sub3A_333 = vector.broadcast %broadcast_in_dim3A_332 : vector<64x1xf32> to vector<64x192xf32>
    %sub3A_334 = arith.subf %dot_general3A_329, %sub3A_333 : vector<64x192xf32>
    %exp3A_335 = math.exp %sub3A_334 : vector<64x192xf32>
    %reduce_sum3A_336 = arith.constant dense<0.000000e+00> : vector<64xf32>
    %reduce_sum3A_337 = vector.multi_reduction <add>, %exp3A_335, %reduce_sum3A_336 [1] : vector<64x192xf32> to vector<64xf32>
    %broadcast_in_dim3A_338 = vector.shape_cast %reduce_sum3A_337 : vector<64xf32> to vector<64x1xf32>
    %div3A_339 = vector.broadcast %broadcast_in_dim3A_338 : vector<64x1xf32> to vector<64x192xf32>
    %div3A_340 = arith.divf %exp3A_335, %div3A_339 : vector<64x192xf32>
    %get3A_341 = arith.constant 0 : index
    %get3A_342 = arith.constant 256 : index
    %get3A_343 = arith.constant 0 : index
    %get3A_344 = vector.load %arg5[%get3A_341, %get3A_342, %get3A_343] : memref<1x512x384xf32, #tpu.memory_space<vmem>>, vector<1x64x384xf32>
    %get3A_345 = vector.shape_cast %get3A_344 : vector<1x64x384xf32> to vector<64x384xf32>
    %get3A_346 = arith.constant 0 : index
    %get3A_347 = arith.constant 384 : index
    %get3A_348 = arith.constant 0 : index
    %get3A_349 = vector.load %arg5[%get3A_346, %get3A_347, %get3A_348] : memref<1x512x384xf32, #tpu.memory_space<vmem>>, vector<1x64x384xf32>
    %get3A_350 = vector.shape_cast %get3A_349 : vector<1x64x384xf32> to vector<64x384xf32>
    %get3A_351 = arith.constant 0 : index
    %get3A_352 = arith.constant 320 : index
    %get3A_353 = arith.constant 0 : index
    %get3A_354 = vector.load %arg5[%get3A_351, %get3A_352, %get3A_353] : memref<1x512x384xf32, #tpu.memory_space<vmem>>, vector<1x64x384xf32>
    %get3A_355 = vector.shape_cast %get3A_354 : vector<1x64x384xf32> to vector<64x384xf32>
    %concatenate3A_356 = tpu.concatenate %get3A_355, %get3A_345, %get3A_350 in 0 : vector<64x384xf32>, vector<64x384xf32>, vector<64x384xf32> -> vector<192x384xf32>
    %dot_general3A_357 = arith.constant dense<0.000000e+00> : vector<64x384xf32>
    %dot_general3A_358 = tpu.matmul %div3A_340, %concatenate3A_356, %dot_general3A_357 {dimension_numbers = #tpu.dot_dimension_numbers<[1], [0], [0], [1], [0, 0, 1, 1], [], []>, transpose_lhs_hint = false} : vector<64x192xf32>, vector<192x384xf32>, vector<64x384xf32> -> vector<64x384xf32>
    %swap3A_359 = arith.constant 0 : index
    %swap3A_360 = arith.constant 320 : index
    %swap3A_361 = arith.constant 0 : index
    %swap3A_362 = vector.load %arg8[%swap3A_359, %swap3A_360, %swap3A_361] : memref<1x512x384xf32, #tpu.memory_space<vmem>>, vector<1x64x384xf32>
    %swap3A_363 = vector.shape_cast %swap3A_362 : vector<1x64x384xf32> to vector<64x384xf32>
    %swap3A_364 = vector.shape_cast %dot_general3A_358 : vector<64x384xf32> to vector<1x64x384xf32>
    tpu.vector_store %arg8[%swap3A_359, %swap3A_360, %swap3A_361], %swap3A_364 {strides = array<i32>} : memref<1x512x384xf32, #tpu.memory_space<vmem>>, vector<1x64x384xf32>,
    %get3A_365 = arith.constant 0 : index
    %get3A_366 = arith.constant 384 : index
    %get3A_367 = arith.constant 0 : index
    %get3A_368 = vector.load %arg2[%get3A_365, %get3A_366, %get3A_367] : memref<1x512x96xf32, #tpu.memory_space<vmem>>, vector<1x64x96xf32>
    %get3A_369 = vector.shape_cast %get3A_368 : vector<1x64x96xf32> to vector<64x96xf32>
    %get3A_370 = arith.constant 0 : index
    %get3A_371 = arith.constant 320 : index
    %get3A_372 = arith.constant 0 : index
    %get3A_373 = vector.load %arg2[%get3A_370, %get3A_371, %get3A_372] : memref<1x512x96xf32, #tpu.memory_space<vmem>>, vector<1x64x96xf32>
    %get3A_374 = vector.shape_cast %get3A_373 : vector<1x64x96xf32> to vector<64x96xf32>
    %get3A_375 = arith.constant 0 : index
    %get3A_376 = arith.constant 448 : index
    %get3A_377 = arith.constant 0 : index
    %get3A_378 = vector.load %arg2[%get3A_375, %get3A_376, %get3A_377] : memref<1x512x96xf32, #tpu.memory_space<vmem>>, vector<1x64x96xf32>
    %get3A_379 = vector.shape_cast %get3A_378 : vector<1x64x96xf32> to vector<64x96xf32>
    %concatenate3A_380 = tpu.concatenate %get3A_369, %get3A_374, %get3A_379 in 0 : vector<64x96xf32>, vector<64x96xf32>, vector<64x96xf32> -> vector<192x96xf32>
    %mul3A_381 = arith.mulf %concatenate3A_380, %concatenate3A_380 : vector<192x96xf32>
    %reduce_sum3A_382 = arith.constant dense<0.000000e+00> : vector<192xf32>
    %reduce_sum3A_383 = vector.multi_reduction <add>, %mul3A_381, %reduce_sum3A_382 [1] : vector<192x96xf32> to vector<192xf32>
    %broadcast_in_dim3A_384 = vector.shape_cast %reduce_sum3A_383 : vector<192xf32> to vector<192x1xf32>
    %sqrt3A_385 = math.sqrt %broadcast_in_dim3A_384 : vector<192x1xf32>
    %max3A_386 = arith.constant 5.000000e-05 : f32
    %max3A_387 = vector.broadcast %max3A_386 : f32 to vector<192x1xf32>
    %max3A_388 = arith.maximumf %sqrt3A_385, %max3A_387 : vector<192x1xf32>
    %div3A_389 = vector.broadcast %max3A_388 : vector<192x1xf32> to vector<192x96xf32>
    %div3A_390 = arith.divf %concatenate3A_380, %div3A_389 : vector<192x96xf32>
    %dot_general3A_391 = arith.constant dense<0.000000e+00> : vector<64x192xf32>
    %dot_general3A_392 = tpu.matmul %get3A_369, %div3A_390, %dot_general3A_391 {dimension_numbers = #tpu.dot_dimension_numbers<[1], [1], [0], [0], [0, 0, 1, 0], [], []>, transpose_lhs_hint = false} : vector<64x96xf32>, vector<192x96xf32>, vector<64x192xf32> -> vector<64x192xf32>
    %reduce_max3A_393 = arith.constant dense<0xFF800000> : vector<64xf32>
    %reduce_max3A_394 = vector.multi_reduction <maximumf>, %dot_general3A_392, %reduce_max3A_393 [1] : vector<64x192xf32> to vector<64xf32>
    %broadcast_in_dim3A_395 = vector.shape_cast %reduce_max3A_394 : vector<64xf32> to vector<64x1xf32>
    %sub3A_396 = vector.broadcast %broadcast_in_dim3A_395 : vector<64x1xf32> to vector<64x192xf32>
    %sub3A_397 = arith.subf %dot_general3A_392, %sub3A_396 : vector<64x192xf32>
    %exp3A_398 = math.exp %sub3A_397 : vector<64x192xf32>
    %reduce_sum3A_399 = arith.constant dense<0.000000e+00> : vector<64xf32>
    %reduce_sum3A_400 = vector.multi_reduction <add>, %exp3A_398, %reduce_sum3A_399 [1] : vector<64x192xf32> to vector<64xf32>
    %broadcast_in_dim3A_401 = vector.shape_cast %reduce_sum3A_400 : vector<64xf32> to vector<64x1xf32>
    %div3A_402 = vector.broadcast %broadcast_in_dim3A_401 : vector<64x1xf32> to vector<64x192xf32>
    %div3A_403 = arith.divf %exp3A_398, %div3A_402 : vector<64x192xf32>
    %get3A_404 = arith.constant 0 : index
    %get3A_405 = arith.constant 320 : index
    %get3A_406 = arith.constant 0 : index
    %get3A_407 = vector.load %arg5[%get3A_404, %get3A_405, %get3A_406] : memref<1x512x384xf32, #tpu.memory_space<vmem>>, vector<1x64x384xf32>
    %get3A_408 = vector.shape_cast %get3A_407 : vector<1x64x384xf32> to vector<64x384xf32>
    %get3A_409 = arith.constant 0 : index
    %get3A_410 = arith.constant 448 : index
    %get3A_411 = arith.constant 0 : index
    %get3A_412 = vector.load %arg5[%get3A_409, %get3A_410, %get3A_411] : memref<1x512x384xf32, #tpu.memory_space<vmem>>, vector<1x64x384xf32>
    %get3A_413 = vector.shape_cast %get3A_412 : vector<1x64x384xf32> to vector<64x384xf32>
    %get3A_414 = arith.constant 0 : index
    %get3A_415 = arith.constant 384 : index
    %get3A_416 = arith.constant 0 : index
    %get3A_417 = vector.load %arg5[%get3A_414, %get3A_415, %get3A_416] : memref<1x512x384xf32, #tpu.memory_space<vmem>>, vector<1x64x384xf32>
    %get3A_418 = vector.shape_cast %get3A_417 : vector<1x64x384xf32> to vector<64x384xf32>
    %concatenate3A_419 = tpu.concatenate %get3A_418, %get3A_408, %get3A_413 in 0 : vector<64x384xf32>, vector<64x384xf32>, vector<64x384xf32> -> vector<192x384xf32>
    %dot_general3A_420 = arith.constant dense<0.000000e+00> : vector<64x384xf32>
    %dot_general3A_421 = tpu.matmul %div3A_403, %concatenate3A_419, %dot_general3A_420 {dimension_numbers = #tpu.dot_dimension_numbers<[1], [0], [0], [1], [0, 0, 1, 1], [], []>, transpose_lhs_hint = false} : vector<64x192xf32>, vector<192x384xf32>, vector<64x384xf32> -> vector<64x384xf32>
    %swap3A_422 = arith.constant 0 : index
    %swap3A_423 = arith.constant 384 : index
    %swap3A_424 = arith.constant 0 : index
    %swap3A_425 = vector.load %arg8[%swap3A_422, %swap3A_423, %swap3A_424] : memref<1x512x384xf32, #tpu.memory_space<vmem>>, vector<1x64x384xf32>
    %swap3A_426 = vector.shape_cast %swap3A_425 : vector<1x64x384xf32> to vector<64x384xf32>
    %swap3A_427 = vector.shape_cast %dot_general3A_421 : vector<64x384xf32> to vector<1x64x384xf32>
    tpu.vector_store %arg8[%swap3A_422, %swap3A_423, %swap3A_424], %swap3A_427 {strides = array<i32>} : memref<1x512x384xf32, #tpu.memory_space<vmem>>, vector<1x64x384xf32>,
    %get3A_428 = arith.constant 0 : index
    %get3A_429 = arith.constant 448 : index
    %get3A_430 = arith.constant 0 : index
    %get3A_431 = vector.load %arg2[%get3A_428, %get3A_429, %get3A_430] : memref<1x512x96xf32, #tpu.memory_space<vmem>>, vector<1x64x96xf32>
    %get3A_432 = vector.shape_cast %get3A_431 : vector<1x64x96xf32> to vector<64x96xf32>
    %get3A_433 = arith.constant 0 : index
    %get3A_434 = arith.constant 384 : index
    %get3A_435 = arith.constant 0 : index
    %get3A_436 = vector.load %arg2[%get3A_433, %get3A_434, %get3A_435] : memref<1x512x96xf32, #tpu.memory_space<vmem>>, vector<1x64x96xf32>
    %get3A_437 = vector.shape_cast %get3A_436 : vector<1x64x96xf32> to vector<64x96xf32>
    %get3A_438 = arith.constant 0 : index
    %get3A_439 = arith.constant 0 : index
    %get3A_440 = arith.constant 0 : index
    %get3A_441 = vector.load %arg4[%get3A_438, %get3A_439, %get3A_440] : memref<1x64x96xf32, #tpu.memory_space<vmem>>, vector<1x64x96xf32>
    %get3A_442 = vector.shape_cast %get3A_441 : vector<1x64x96xf32> to vector<64x96xf32>
    %concatenate3A_443 = tpu.concatenate %get3A_432, %get3A_437, %get3A_442 in 0 : vector<64x96xf32>, vector<64x96xf32>, vector<64x96xf32> -> vector<192x96xf32>
    %mul3A_444 = arith.mulf %concatenate3A_443, %concatenate3A_443 : vector<192x96xf32>
    %reduce_sum3A_445 = arith.constant dense<0.000000e+00> : vector<192xf32>
    %reduce_sum3A_446 = vector.multi_reduction <add>, %mul3A_444, %reduce_sum3A_445 [1] : vector<192x96xf32> to vector<192xf32>
    %broadcast_in_dim3A_447 = vector.shape_cast %reduce_sum3A_446 : vector<192xf32> to vector<192x1xf32>
    %sqrt3A_448 = math.sqrt %broadcast_in_dim3A_447 : vector<192x1xf32>
    %max3A_449 = arith.constant 5.000000e-05 : f32
    %max3A_450 = vector.broadcast %max3A_449 : f32 to vector<192x1xf32>
    %max3A_451 = arith.maximumf %sqrt3A_448, %max3A_450 : vector<192x1xf32>
    %div3A_452 = vector.broadcast %max3A_451 : vector<192x1xf32> to vector<192x96xf32>
    %div3A_453 = arith.divf %concatenate3A_443, %div3A_452 : vector<192x96xf32>
    %dot_general3A_454 = arith.constant dense<0.000000e+00> : vector<64x192xf32>
    %dot_general3A_455 = tpu.matmul %get3A_432, %div3A_453, %dot_general3A_454 {dimension_numbers = #tpu.dot_dimension_numbers<[1], [1], [0], [0], [0, 0, 1, 0], [], []>, transpose_lhs_hint = false} : vector<64x96xf32>, vector<192x96xf32>, vector<64x192xf32> -> vector<64x192xf32>
    %reduce_max3A_456 = arith.constant dense<0xFF800000> : vector<64xf32>
    %reduce_max3A_457 = vector.multi_reduction <maximumf>, %dot_general3A_455, %reduce_max3A_456 [1] : vector<64x192xf32> to vector<64xf32>
    %broadcast_in_dim3A_458 = vector.shape_cast %reduce_max3A_457 : vector<64xf32> to vector<64x1xf32>
    %sub3A_459 = vector.broadcast %broadcast_in_dim3A_458 : vector<64x1xf32> to vector<64x192xf32>
    %sub3A_460 = arith.subf %dot_general3A_455, %sub3A_459 : vector<64x192xf32>
    %exp3A_461 = math.exp %sub3A_460 : vector<64x192xf32>
    %reduce_sum3A_462 = arith.constant dense<0.000000e+00> : vector<64xf32>
    %reduce_sum3A_463 = vector.multi_reduction <add>, %exp3A_461, %reduce_sum3A_462 [1] : vector<64x192xf32> to vector<64xf32>
    %broadcast_in_dim3A_464 = vector.shape_cast %reduce_sum3A_463 : vector<64xf32> to vector<64x1xf32>
    %div3A_465 = vector.broadcast %broadcast_in_dim3A_464 : vector<64x1xf32> to vector<64x192xf32>
    %div3A_466 = arith.divf %exp3A_461, %div3A_465 : vector<64x192xf32>
    %get3A_467 = arith.constant 0 : index
    %get3A_468 = arith.constant 384 : index
    %get3A_469 = arith.constant 0 : index
    %get3A_470 = vector.load %arg5[%get3A_467, %get3A_468, %get3A_469] : memref<1x512x384xf32, #tpu.memory_space<vmem>>, vector<1x64x384xf32>
    %get3A_471 = vector.shape_cast %get3A_470 : vector<1x64x384xf32> to vector<64x384xf32>
    %get3A_472 = arith.constant 0 : index
    %get3A_473 = arith.constant 0 : index
    %get3A_474 = arith.constant 0 : index
    %get3A_475 = vector.load %arg7[%get3A_472, %get3A_473, %get3A_474] : memref<1x64x384xf32, #tpu.memory_space<vmem>>, vector<1x64x384xf32>
    %get3A_476 = vector.shape_cast %get3A_475 : vector<1x64x384xf32> to vector<64x384xf32>
    %get3A_477 = arith.constant 0 : index
    %get3A_478 = arith.constant 448 : index
    %get3A_479 = arith.constant 0 : index
    %get3A_480 = vector.load %arg5[%get3A_477, %get3A_478, %get3A_479] : memref<1x512x384xf32, #tpu.memory_space<vmem>>, vector<1x64x384xf32>
    %get3A_481 = vector.shape_cast %get3A_480 : vector<1x64x384xf32> to vector<64x384xf32>
    %concatenate3A_482 = tpu.concatenate %get3A_481, %get3A_471, %get3A_476 in 0 : vector<64x384xf32>, vector<64x384xf32>, vector<64x384xf32> -> vector<192x384xf32>
    %dot_general3A_483 = arith.constant dense<0.000000e+00> : vector<64x384xf32>
    %dot_general3A_484 = tpu.matmul %div3A_466, %concatenate3A_482, %dot_general3A_483 {dimension_numbers = #tpu.dot_dimension_numbers<[1], [0], [0], [1], [0, 0, 1, 1], [], []>, transpose_lhs_hint = false} : vector<64x192xf32>, vector<192x384xf32>, vector<64x384xf32> -> vector<64x384xf32>
    %swap3A_485 = arith.constant 0 : index
    %swap3A_486 = arith.constant 448 : index
    %swap3A_487 = arith.constant 0 : index
    %swap3A_488 = vector.load %arg8[%swap3A_485, %swap3A_486, %swap3A_487] : memref<1x512x384xf32, #tpu.memory_space<vmem>>, vector<1x64x384xf32>
    %swap3A_489 = vector.shape_cast %swap3A_488 : vector<1x64x384xf32> to vector<64x384xf32>
    %swap3A_490 = vector.shape_cast %dot_general3A_484 : vector<64x384xf32> to vector<1x64x384xf32>
    tpu.vector_store %arg8[%swap3A_485, %swap3A_486, %swap3A_487], %swap3A_490 {strides = array<i32>} : memref<1x512x384xf32, #tpu.memory_space<vmem>>, vector<1x64x384xf32>,
    return
  }
  func.func @transform_0(%arg0: i32, %arg1: i32) -> (i32, i32, i32) {
    %c0_i32 = arith.constant 0 : i32
    %c0_i32_0 = arith.constant 0 : i32
    return %arg0, %arg1, %c0_i32 : i32, i32, i32
  }
  func.func @transform_1(%arg0: i32, %arg1: i32) -> (i32, i32, i32) {
    %mul3A = arith.constant 8 : i32
    %mul3A_0 = arith.muli %arg1, %mul3A : i32
    %sub3A = arith.constant 1 : i32
    %sub3A_1 = arith.subi %mul3A_0, %sub3A : i32
    %jit3A = arith.constant 784 : i32
    %eq3A = arith.constant 0 : i32
    %eq3A_2 = arith.cmpi eq, %jit3A, %eq3A : i32
    %jit3A_3 = arith.constant 1 : i32
    %select_n3A = arith.select %eq3A_2, %jit3A_3, %jit3A : i32
    %rem3A = arith.remsi %sub3A_1, %select_n3A : i32
    %ne3A = arith.constant 0 : i32
    %ne3A_4 = arith.cmpi ne, %rem3A, %ne3A : i32
    %lt3A = arith.constant 0 : i32
    %lt3A_5 = arith.cmpi slt, %rem3A, %lt3A : i32
    %lt3A_6 = arith.constant 0 : i32
    %lt3A_7 = arith.cmpi slt, %select_n3A, %lt3A_6 : i32
    %ne3A_8 = arith.xori %lt3A_5, %lt3A_7 : i1
    %and3A = arith.andi %ne3A_8, %ne3A_4 : i1
    %add3A = arith.addi %rem3A, %select_n3A : i32
    %select_n3A_9 = arith.select %and3A, %add3A, %rem3A : i32
    %c0_i32 = arith.constant 0 : i32
    %c0_i32_10 = arith.constant 0 : i32
    return %arg0, %select_n3A_9, %c0_i32 : i32, i32, i32
  }
  func.func @transform_2(%arg0: i32, %arg1: i32) -> (i32, i32, i32) {
    %mul3A = arith.constant 8 : i32
    %mul3A_0 = arith.muli %arg1, %mul3A : i32
    %add3A = arith.constant 8 : i32
    %add3A_1 = arith.addi %mul3A_0, %add3A : i32
    %jit3A = arith.constant 784 : i32
    %eq3A = arith.constant 0 : i32
    %eq3A_2 = arith.cmpi eq, %jit3A, %eq3A : i32
    %jit3A_3 = arith.constant 1 : i32
    %select_n3A = arith.select %eq3A_2, %jit3A_3, %jit3A : i32
    %rem3A = arith.remsi %add3A_1, %select_n3A : i32
    %ne3A = arith.constant 0 : i32
    %ne3A_4 = arith.cmpi ne, %rem3A, %ne3A : i32
    %lt3A = arith.constant 0 : i32
    %lt3A_5 = arith.cmpi slt, %rem3A, %lt3A : i32
    %lt3A_6 = arith.constant 0 : i32
    %lt3A_7 = arith.cmpi slt, %select_n3A, %lt3A_6 : i32
    %ne3A_8 = arith.xori %lt3A_5, %lt3A_7 : i1
    %and3A = arith.andi %ne3A_8, %ne3A_4 : i1
    %add3A_9 = arith.addi %rem3A, %select_n3A : i32
    %select_n3A_10 = arith.select %and3A, %add3A_9, %rem3A : i32
    %c0_i32 = arith.constant 0 : i32
    %c0_i32_11 = arith.constant 0 : i32
    return %arg0, %select_n3A_10, %c0_i32 : i32, i32, i32
  }
  func.func @transform_3(%arg0: i32, %arg1: i32) -> (i32, i32, i32) {
    %c0_i32 = arith.constant 0 : i32
    %c0_i32_0 = arith.constant 0 : i32
    return %arg0, %arg1, %c0_i32 : i32, i32, i32
  }
  func.func @transform_4(%arg0: i32, %arg1: i32) -> (i32, i32, i32) {
    %mul3A = arith.constant 8 : i32
    %mul3A_0 = arith.muli %arg1, %mul3A : i32
    %sub3A = arith.constant 1 : i32
    %sub3A_1 = arith.subi %mul3A_0, %sub3A : i32
    %jit3A = arith.constant 784 : i32
    %eq3A = arith.constant 0 : i32
    %eq3A_2 = arith.cmpi eq, %jit3A, %eq3A : i32
    %jit3A_3 = arith.constant 1 : i32
    %select_n3A = arith.select %eq3A_2, %jit3A_3, %jit3A : i32
    %rem3A = arith.remsi %sub3A_1, %select_n3A : i32
    %ne3A = arith.constant 0 : i32
    %ne3A_4 = arith.cmpi ne, %rem3A, %ne3A : i32
    %lt3A = arith.constant 0 : i32
    %lt3A_5 = arith.cmpi slt, %rem3A, %lt3A : i32
    %lt3A_6 = arith.constant 0 : i32
    %lt3A_7 = arith.cmpi slt, %select_n3A, %lt3A_6 : i32
    %ne3A_8 = arith.xori %lt3A_5, %lt3A_7 : i1
    %and3A = arith.andi %ne3A_8, %ne3A_4 : i1
    %add3A = arith.addi %rem3A, %select_n3A : i32
    %select_n3A_9 = arith.select %and3A, %add3A, %rem3A : i32
    %c0_i32 = arith.constant 0 : i32
    %c0_i32_10 = arith.constant 0 : i32
    return %arg0, %select_n3A_9, %c0_i32 : i32, i32, i32
  }
  func.func @transform_5(%arg0: i32, %arg1: i32) -> (i32, i32, i32) {
    %mul3A = arith.constant 8 : i32
    %mul3A_0 = arith.muli %arg1, %mul3A : i32
    %add3A = arith.constant 8 : i32
    %add3A_1 = arith.addi %mul3A_0, %add3A : i32
    %jit3A = arith.constant 784 : i32
    %eq3A = arith.constant 0 : i32
    %eq3A_2 = arith.cmpi eq, %jit3A, %eq3A : i32
    %jit3A_3 = arith.constant 1 : i32
    %select_n3A = arith.select %eq3A_2, %jit3A_3, %jit3A : i32
    %rem3A = arith.remsi %add3A_1, %select_n3A : i32
    %ne3A = arith.constant 0 : i32
    %ne3A_4 = arith.cmpi ne, %rem3A, %ne3A : i32
    %lt3A = arith.constant 0 : i32
    %lt3A_5 = arith.cmpi slt, %rem3A, %lt3A : i32
    %lt3A_6 = arith.constant 0 : i32
    %lt3A_7 = arith.cmpi slt, %select_n3A, %lt3A_6 : i32
    %ne3A_8 = arith.xori %lt3A_5, %lt3A_7 : i1
    %and3A = arith.andi %ne3A_8, %ne3A_4 : i1
    %add3A_9 = arith.addi %rem3A, %select_n3A : i32
    %select_n3A_10 = arith.select %and3A, %add3A_9, %rem3A : i32
    %c0_i32 = arith.constant 0 : i32
    %c0_i32_11 = arith.constant 0 : i32
    return %arg0, %select_n3A_10, %c0_i32 : i32, i32, i32
  }
  func.func @transform_6(%arg0: i32, %arg1: i32) -> (i32, i32, i32) {
    %c0_i32 = arith.constant 0 : i32
    %c0_i32_0 = arith.constant 0 : i32
    return %arg0, %arg1, %c0_i32 : i32, i32, i32
  }
}

module attributes {stable_mosaic.version = 14 : i64} {
  func.func @_out_body(%arg0: i32, %arg1: memref<512x1536xf32, #tpu.memory_space<vmem>>, %arg2: memref<1536x384xf32, #tpu.memory_space<vmem>>, %arg3: memref<1x384xf32, #tpu.memory_space<vmem>>, %arg4: memref<512x384xf32, #tpu.memory_space<vmem>>, %arg5: memref<512x384xf32, #tpu.memory_space<vmem>>) attributes {dimension_semantics = [#tpu.dimension_semantics<arbitrary>], iteration_bounds = array<i64: 98>, scalar_prefetch = 0 : i64, scratch_operands = 0 : i64, tpu.core_type = #tpu.core_type<tc>, window_params = [{transform_indices = @transform_0, window_bounds = array<i64: 512, 1536>}, {pipeline_mode = #tpu.pipeline_mode<synchronous>, transform_indices = @transform_1, window_bounds = array<i64: 1536, 384>}, {pipeline_mode = #tpu.pipeline_mode<synchronous>, transform_indices = @transform_2, window_bounds = array<i64: 1, 384>}, {transform_indices = @transform_3, window_bounds = array<i64: 512, 384>}, {transform_indices = @transform_4, window_bounds = array<i64: 512, 384>}]} {
    %get3A = arith.constant 0 : index
    %get3A_0 = arith.constant 0 : index
    %get3A_1 = vector.load %arg1[%get3A, %get3A_0] : memref<512x1536xf32, #tpu.memory_space<vmem>>, vector<512x1536xf32>
    %get3A_2 = arith.constant 0 : index
    %get3A_3 = arith.constant 0 : index
    %get3A_4 = vector.load %arg2[%get3A_2, %get3A_3] : memref<1536x384xf32, #tpu.memory_space<vmem>>, vector<1536x384xf32>
    %dot_general3A = arith.constant dense<0.000000e+00> : vector<512x384xf32>
    %dot_general3A_5 = tpu.matmul %get3A_1, %get3A_4, %dot_general3A {dimension_numbers = #tpu.dot_dimension_numbers<[1], [0], [0], [1], [0, 0, 1, 1], [], []>, transpose_lhs_hint = false} : vector<512x1536xf32>, vector<1536x384xf32>, vector<512x384xf32> -> vector<512x384xf32>
    %get3A_6 = arith.constant 0 : index
    %get3A_7 = arith.constant 0 : index
    %get3A_8 = vector.load %arg3[%get3A_6, %get3A_7] : memref<1x384xf32, #tpu.memory_space<vmem>>, vector<1x384xf32>
    %add3A = vector.broadcast %get3A_8 : vector<1x384xf32> to vector<512x384xf32>
    %add3A_9 = arith.addf %dot_general3A_5, %add3A : vector<512x384xf32>
    %get3A_10 = arith.constant 0 : index
    %get3A_11 = arith.constant 0 : index
    %get3A_12 = vector.load %arg4[%get3A_10, %get3A_11] : memref<512x384xf32, #tpu.memory_space<vmem>>, vector<512x384xf32>
    %add3A_13 = arith.addf %add3A_9, %get3A_12 : vector<512x384xf32>
    %swap3A = arith.constant 0 : index
    %swap3A_14 = arith.constant 0 : index
    %swap3A_15 = vector.load %arg5[%swap3A, %swap3A_14] : memref<512x384xf32, #tpu.memory_space<vmem>>, vector<512x384xf32>
    tpu.vector_store %arg5[%swap3A, %swap3A_14], %add3A_13 {strides = array<i32>} : memref<512x384xf32, #tpu.memory_space<vmem>>, vector<512x384xf32>,
    return
  }
  func.func @transform_0(%arg0: i32) -> (i32, i32) {
    %c0_i32 = arith.constant 0 : i32
    %c0_i32_0 = arith.constant 0 : i32
    return %arg0, %c0_i32 : i32, i32
  }
  func.func @transform_1(%arg0: i32) -> (i32, i32) {
    %c0_i32 = arith.constant 0 : i32
    %c0_i32_0 = arith.constant 0 : i32
    %c0_i32_1 = arith.constant 0 : i32
    return %c0_i32, %c0_i32_0 : i32, i32
  }
  func.func @transform_2(%arg0: i32) -> (i32, i32) {
    %c0_i32 = arith.constant 0 : i32
    %c0_i32_0 = arith.constant 0 : i32
    %c0_i32_1 = arith.constant 0 : i32
    return %c0_i32, %c0_i32_0 : i32, i32
  }
  func.func @transform_3(%arg0: i32) -> (i32, i32) {
    %c0_i32 = arith.constant 0 : i32
    %c0_i32_0 = arith.constant 0 : i32
    return %arg0, %c0_i32 : i32, i32
  }
  func.func @transform_4(%arg0: i32) -> (i32, i32) {
    %c0_i32 = arith.constant 0 : i32
    %c0_i32_0 = arith.constant 0 : i32
    return %arg0, %c0_i32 : i32, i32
  }
}

</mosaic_0001>

<sc_bundles>
// kernel: gather_offload_async_start.1
scs
__scs_entry_jumppad:
0x0: {  	(pc) =	sbr.rel $0x88, $3  }
0x1: {  	(tag) =	ssettag $0x0;
	lr =	simm.s32 $0x1  }
0x2: {  	[smem:$0x3F9B] =	sst lr;
	_ =	strace $0xD0000000  }
0x3: {  	_ = 	snop  }
0x4: {  	_ = 	snop  }
0x5: {  	_ = 	snop  }
0x6: {  	_ = 	snop  }
0x7: {  	_ = 	snop  }
__scs_overlays_trampoline_lowered:
0x8: {  	[smem:$0x3FAA] =	sst s0  }
0x9: {  	[smem:$0x3FAB] =	sst s1  }
0xa: {  	[smem:$0x3FAC] =	sst s2  }
0xb: {  	[smem:$0x3FAD] =	sst s3  }
0xc: {  	[smem:$0x3FAE] =	sst s4  }
0xd: {  	[smem:$0x3FAF] =	sst s5  }
0xe: {  	[smem:$0x3FB0] =	sst s6  }
0xf: {  	[smem:$0x3FB1] =	sst s7  }
0x10: {  	[smem:$0x3FB2] =	sst s8  }
0x11: {  	[smem:$0x3FB3] =	sst s9;
	s0 =	simm.s32 @!p0 $0x0  }
0x12: {  	s1 =	sld [smem:$0x3F99];
	s0 =	simm.s32 @p0 $0x1  }
0x13: {  	[smem:$0x3FB4] =	sst s0;
	s0 =	simm.s32 @!p1 $0x0  }
0x14: {  	s2 =	sld [smem:$0x3F98];
	s0 =	simm.s32 @p1 $0x1  }
0x15: {  	[smem:$0x3FB5] =	sst s0;
	s0 =	simm.s32 @!p2 $0x0  }
0x16: {  	s3 =	sld [smem:$0x3FDB];
	s0 =	simm.s32 @p2 $0x1  }
0x17: {  	s4 =	simm.s32 $0x1BF5;
	[smem:$0x3FB7] =	sst s0  }
0x18: {  	s0 =	sld [smem:$0x3F9A];
	_ =	swait.ge [sflag:s4], $0x0  }
0x19: {  	s7 =	sld [smem:$0x3F9B]  }
0x1a: {  	s8 =	sadd.s32 $0xFFFFE003, lr  }
0x1b: {  	s9 =	sadd.s32 $0xFFFFFEF7, lr;
	s5 =	simm.s32 $0xFFFFFFFF;
	p2 =	slt.u32 s8, $0xFFFFF086  }
0x1c: {  	p1 =	slt.u32 s9, $0xF7A;
	s5 =	simm.s32 @!p2 $0x0  }
0x1d: {  	s5 =	simm.s32 @p1 $0x1;
	p0 =	seq.s32 s7, s2  }
0x1e: {  	s7 =	smul.u32 @!p0 $0xF7A, s2;
	p2 =	seq.s32 @!p0 s5, $0x0  }
0x1f: {  	s9 =	smul.u32 $0xF7A, s1;
	s8 =	simm.s32 @!p0 $0x1BF5;
	p2 =	por !p2, p0  }
0x20: {  	[sflag:s8] =	ssyncset.s32 @!p0 $0xFFFFF086;
	s6 =	sadd.s32 @!p0 s3, s7;
	s7 =	simm.s32 @!p0 $0x108  }
0x21: {  	s3 =	sadd.s32 s3, s9;
	s6 =	sadd.s32 @!p0 $0x88, s6;
	s7 =	simm.s32 @p2 $0x1082  }
0x22: {  	[simem:s7], [sflag:s8] =	dma.local @!p0 [hbm:s6], $0xF7A  }
0x23: {  	s9 =	sor.u32 $0xD0000000, s2;
	s6 =	simm.s32 $0x108;
	_ =	swait.ge @!p0 [sflag:s8], $0x0  }
0x24: {  	s3 =	sadd.s32 $0x88, s3;
	s6 =	simm.s32 @!p1 $0x1082;
	[sflag:s4] =	ssyncset.s32 $0xFFFFF086  }
0x25: {  	[simem:s6], [sflag:s4] =	dma.local [hbm:s3], $0xF7A  }
0x26: {  	[smem:$0x3F9B] =	sst s1;
	(tag) =	ssettag s2;
	_ =	strace s9  }
0x27: {  	s1 =	sld [smem:$0x3FAB]  }
0x28: {  	s2 =	sld [smem:$0x3FAC]  }
0x29: {  	s4 =	sld [smem:$0x3FAE]  }
0x2a: {  	p0 =	seq.s32 s5, $0x0;
	s5 =	sld [smem:$0x3FAF]  }
0x2b: {  	s6 =	sld [smem:$0x3FB0]  }
0x2c: {  	s7 =	sld [smem:$0x3FB1]  }
0x2d: {  	s3 =	simm.s32 $0x108;
	s8 =	sld [smem:$0x3FB2]  }
0x2e: {  	s3 =	simm.s32 @!p0 $0x1082;
	s9 =	sld [smem:$0x3FB3]  }
0x2f: {  	lr =	sadd.s32 s0, s3;
	s0 =	sld [smem:$0x3FAA]  }
0x30: {  	s3 =	sld [smem:$0x3FAD]  }
0x31: {  	[smem:$0x3FB6] =	sst s10  }
0x32: {  	s10 =	sld [smem:$0x3FB4];
	_ =	sdelay $0x3  }
0x33: {  	p0 =	seq.s32 s10, $0x1;
	s10 =	sld [smem:$0x3FB6];
	_ =	sdelay $0x3  }
0x34: {  	[smem:$0x3FB6] =	sst s10  }
0x35: {  	s10 =	sld [smem:$0x3FB5];
	_ =	sdelay $0x3  }
0x36: {  	p1 =	seq.s32 s10, $0x1;
	s10 =	sld [smem:$0x3FB6];
	_ =	sdelay $0x3  }
0x37: {  	[smem:$0x3FB6] =	sst s10  }
0x38: {  	s10 =	sld [smem:$0x3FB7]  }
0x39: {  	_ = 	snop;
	(pc) =	sbr.ind lr, $3  }
0x3a: {  	_ = 	snop  }
0x3b: {  	_ = 	snop  }
0x3c: {  	p2 =	seq.s32 s10, $0x1;
	s10 =	sld [smem:$0x3FB6]  }
0x3d: {  	_ =	shalt  }
0x3e: {  	_ =	shalt  }
0x3f: {  	_ =	shalt  }
0x40: {  	_ =	shalt  }
0x41: {  	_ =	shalt  }
0x42: {  	_ =	shalt  }
0x43: {  	_ =	shalt  }
0x44: {  	_ =	shalt  }
0x45: {  	_ =	shalt  }
0x46: {  	_ =	shalt  }
0x47: {  	_ =	shalt  }
0x48: {  	_ =	shalt  }
0x49: {  	_ =	shalt  }
0x4a: {  	_ =	shalt  }
0x4b: {  	_ =	shalt  }
0x4c: {  	_ =	shalt  }
0x4d: {  	_ =	shalt  }
0x4e: {  	_ =	shalt  }
0x4f: {  	_ =	shalt  }
0x50: {  	_ =	shalt  }
0x51: {  	_ =	shalt  }
0x52: {  	_ =	shalt  }
0x53: {  	_ =	shalt  }
0x54: {  	_ =	shalt  }
0x55: {  	_ =	shalt  }
0x56: {  	_ =	shalt  }
0x57: {  	_ =	shalt  }
0x58: {  	_ =	shalt  }
0x59: {  	_ =	shalt  }
0x5a: {  	_ =	shalt  }
0x5b: {  	_ =	shalt  }
0x5c: {  	_ =	shalt  }
0x5d: {  	_ =	shalt  }
0x5e: {  	_ =	shalt  }
0x5f: {  	_ =	shalt  }
0x60: {  	_ =	shalt  }
0x61: {  	_ =	shalt  }
0x62: {  	_ =	shalt  }
0x63: {  	_ =	shalt  }
0x64: {  	_ =	shalt  }
0x65: {  	_ =	shalt  }
0x66: {  	_ =	shalt  }
0x67: {  	_ =	shalt  }
0x68: {  	_ =	shalt  }
0x69: {  	_ =	shalt  }
0x6a: {  	_ =	shalt  }
0x6b: {  	_ =	shalt  }
0x6c: {  	_ =	shalt  }
0x6d: {  	_ =	shalt  }
0x6e: {  	_ =	shalt  }
0x6f: {  	_ =	shalt  }
0x70: {  	_ =	shalt  }
0x71: {  	_ =	shalt  }
0x72: {  	_ =	shalt  }
0x73: {  	_ =	shalt  }
0x74: {  	_ =	shalt  }
0x75: {  	_ =	shalt  }
0x76: {  	_ =	shalt  }
0x77: {  	_ =	shalt  }
0x78: {  	_ =	shalt  }
0x79: {  	_ =	shalt  }
0x7a: {  	_ =	shalt  }
0x7b: {  	_ =	shalt  }
0x7c: {  	_ =	shalt  }
0x7d: {  	_ =	shalt  }
0x7e: {  	_ =	shalt  }
0x7f: {  	_ =	shalt  }
0x80: {  	_ =	shalt  }
0x81: {  	_ =	shalt  }
0x82: {  	_ =	shalt  }
0x83: {  	_ =	shalt  }
0x84: {  	_ =	shalt  }
0x85: {  	_ =	shalt  }
0x86: {  	_ =	shalt  }
0x87: {  	_ =	shalt  }
.Lfunc_end0:
.L_simem_size_0:
called_computation.3_lowered:
.L_overlay_start_0:
0x88: {  	s2 =	sld [smem:$0x3FD9]  }
0x89: {  	s3 =	sld [smem:$0x3FFE];
	_ =	sdelay $0x1  }
0x8a: {  	s1 =	srdreg.scid  }
0x8b: {  	s0 =	sand.u32 $0x1, s1  }
0x8c: {  	s16 =	sshll.u32 s0, $0xA;
	s2 =	sadd.s32 s3, s2  }
0x8d: {  	s2 =	sadd.s32 s2, s16  }
0x8e: {  	[smem:$0x3FC2] =	sst s2  }
0x8f: {  	_ = 	snop  }
0x90: {  	(tm) =	ssettm $0x1  }
0x91: {  	s17 =	sld [smem:$0x3FFB];
	_ =	sdelay $0x3  }
0x92: {  	_ =	strace s17  }
0x93: {  	s2 =	sld [smem:$0x3FFC];
	_ =	sdelay $0x3  }
0x94: {  	_ =	strace s2  }
0x95: {  	s2 =	sld [smem:$0x3FFD];
	_ =	sdelay $0x3  }
0x96: {  	_ =	strace s2  }
0x97: {  	_ =	strace $0x8FFFFFFF  }
0x98: {  	s18 =	sld [smem:$0x3FDB];
	_ =	sdelay $0x1  }
0x99: {  	s19 =	simm.s32 $_scs_section_size  }
0x9a: {  	s4 =	simm.s32 $_size__tile_overlayer_lowered;
	s5 =	simm.s32 $_tile_overlayer_lowered  }
0x9b: {  	s22 =	simm.s32 $0x1BFF;
	s21 =	sshll.u32 s5, $0x1;
	s2 =	sadd.s32 s19, s18  }
0x9c: {  	s6 =	simm.s32 $0x0;
	s20 =	sshll.u32 s4, $0x1;
	s4 =	sadd.s32 s21, s2  }
0x9d: {  	[timem:s6], [sflag:s22] =	dma.local [hbm:s4], s20  }
0x9e: {  	_ =	swait.ge [sflag:s22], s20  }
0x9f: {  	s3 =	ssub.s32 $0x0, s20;
	[sflag:s22] =	ssyncset.done $0x0  }
0xa0: {  	[sflag:s22] =	ssyncadd.s32 s3;
	_ =	sdelay $0x1  }
0xa1: {  	s23 =	simm.s32 $0x1B8B  }
0xa2: {  	_ =	swait.ge [sflag:s23], $0x1  }
0xa3: {  	[sflag:s23] =	ssyncset.done $0x0  }
0xa4: {  	s25 =	simm.s32 $0x1B8E;
	s24 =	sld [smem:$0x3FFE];
	[sflag:s23] =	ssyncadd.s32 $0xFFFFFFFF  }
0xa5: {  	s26 =	simm.s32 $execute0_lowered;
	[smem:$0x3FD2] =	sst s25  }
0xa6: {  	s4 =	sshll.u32 s26, $0x1;
	_ =	strace $0x8000004C;
	[dreg:$0x1] =	wrdreg $0xFFFFFFFF  }
0xa7: {  	s28 =	simm.s32 $_size_execute0_lowered;
	s2 =	sadd.s32 s2, s4;
	[dreg:$0x0] =	wrdreg $0x0  }
0xa8: {  	s4 =	sshll.u32 s28, $0x1;
	[dreg:$0x2] =	wrdreg s2  }
0xa9: {  	[dreg:$0x3] =	wrdreg s4  }
0xaa: {  	[dreg:$0x4] =	wrdreg $0xC0  }
0xab: {  	_ =	task [dreg:s6], $0x5FFFF  }
0xac: {  	[dreg:$0x1] =	wrdreg $0xFFFFFFFF  }
0xad: {  	[dreg:$0x0] =	wrdreg $0x60  }
0xae: {  	[dreg:$0x2] =	wrdreg s24  }
0xaf: {  	[dreg:$0x3] =	wrdreg $0xA  }
0xb0: {  	_ =	task.clear_ibuf [dreg:s6], $0x4FFFF;
	_ =	strace $0x9000004C  }
0xb1: {  	s29 =	simm.s32 $0xA;
	_ =	strace $0x8000004E  }
0xb2: {  	_ =	swait.ge [sflag:s29], $0x1  }
0xb3: {  	[sflag:s29] =	ssyncadd.s32 $0xFFFFFFFF  }
0xb4: {  	_ =	strace $0x9000004E  }
0xb5: {  	_ =	sfence  }
0xb6: {  	s30 =	sld [smem:$0x0];
	_ =	sdelay $0x2  }
0xb7: {  	s31 =	sshll.u32 s1, $0xD;
	s1 =	sshrl.u32 s1, $0x2  }
0xb8: {  	s3 =	sand.u32 $0x4000, s31;
	s1 =	sadd.s32 s1, s30  }
0xb9: {  	s0 =	sor.u32 s3, s0;
	s1 =	sshll.u32 s1, $0x11  }
0xba: {  	s0 =	sor.u32 s1, s0  }
0xbb: {  	s0 =	sadd.s32 $0x8F2B, s0  }
0xbc: {  	[sflag:s0] =	ssyncadd.remote.s32 $0x1  }
0xbd: {  	_ =	sfence.sel $0xFFFF  }
0xbe: {  	[dreg:$0x0] =	wrdreg $0xFFFFFFFF;
	(pc) =	sbr.abs _section_cstart, $3  }
0xbf: {  	[dreg:$0x1] =	wrdreg $0xFFFFFFFF  }
0xc0: {  	_ =	task.clear_ibuf [dreg:s6], $0x2FFFF;
	_ =	strace $0x9FFFFFFF  }
0xc1: {  	(tm) =	ssettm $0x7FFFFFFF  }
tec
execute0_lowered:
.L_overlay_start_1:
0x0: {  	(tag) =	ssettag $0x1  }
0x1: {  	s7 =	rddreg [dreg:$0x0]  }
0x2: {  	s1 =	srdreg.scid;
	s0 =	rddreg [dreg:$0x1]  }
0x3: {  	_ =	strace $0x8000004D;
	s3 =	simm.s32 $0x1;
	s5 =	simm.s32 $0x2  }
0x4: {  	s9 =	simm.s32 $0x3;
	s11 =	simm.s32 $0x0;
	s2 =	sshll.u32 s1, $0x4  }
.Ltmp0:
0x5: {  	s1 =	stileid.u32;
	s4 =	sand.u32 $0x10, s2;
	(pc) =	sbr.rel .LBB2_1-.Ltmp0, $4  }
0x6: {  	p0 =	por $0x0, $0x0;
	[sflag:s3] =	ssyncpa.u1 $0x0;
	s4 =	sor.u32 s1, s4  }
0x7: {  	s6 =	sadd.s32 $0x260E00, s7;
	[sflag:s5] =	ssyncpa.u1 $0x0;
	s4 =	smul.u32 $0x1880, s4  }
0x8: {  	s2 =	sadd.s32 $0x267000, s7;
	s7 =	sadd.s32 $0xB97000, s7;
	[sflag:s9] =	ssyncpa.u1 $0x0  }
0x9: {  	vm0 =	vmmov $0xff;
	vm1 =	vcmask $0x3F20;
	s9 =	simm.s32 $0x0;
	s8 =	sadd.s32 $0x1880, s4;
	s10 =	smov.u32 s4  }
.LBB2_9:
0xa: {  	p1 =	slt.u32 s9, $0x2;
	s11 =	sadd.s32 $0x80, s10  }
0xb: {  	s13 =	smov.u32 s4;
	s9 =	sadd.s32 $0x1, s9;
	p2 =	slt.s32 s11, s8  }
0xc: {  	s13 =	smov.u32 @p2 s11;
	p2 =	sne.s32 s9, $0x33  }
.Ltmp1:
0xd: {  	_ = 	snop;
	(pc) =	sbr.rel @!p2 .LBB2_10-.Ltmp1, $4  }
0xe: {  	s12 =	simm.s32 @!p1 $0x3  }
0xf: {  	_ =	swait.ge @!p1 [sflag:s12], $0xC000  }
0x10: {  	p0 =	por !p0, !p0;
	[sflag:s12] =	ssyncset.done @!p1 $0x0  }
0x11: {  	s11 =	smov.u32 s10;
	s10 =	smov.u32 s13;
	[sflag:s12] =	ssyncadd.s32 @!p1 $0xFFFF4000  }
.LBB2_1:
0x12: {  	p1 =	sgt.u32 s9, $0x30  }
0x13: {  	s12 =	sxor.u32 @!p1 $0xFFFFFFFF, s9  }
0x14: {  	s31 =	sadd.s32 $0xFFFFFFFF, s9;
	s13 =	sshrl.u32 @!p1 s10, $0x3;
	s12 =	sshll.u32 @!p1 s12, $0x7  }
0x15: {  	s14 =	sand.u32 @!p1 $0x7, s10;
	s13 =	sadd.s32 @!p1 s6, s13;
	s12 =	sand.u32 @!p1 $0x80, s12  }
0x16: {  	[tilespmem:s12], [sflag:$0x2] =	stream.linear.gather @!p1 [hbm4b:s13+s14], $0x80, $0x38;
	[tilespmem:$0x18100] =	vst v63  }
0x17: {  	p1 =	sgt.u32 s31, $0x30  }
.Ltmp2:
0x18: {  	_ = 	snop;
	(pc) =	sbr.rel @p1 .LBB2_9-.Ltmp2, $1  }
0x19: {  	_ =	sdelay $0x3  }
0x1a: {  	s12 =	simm.s32 $0x1  }
0x1b: {  	s12 =	simm.s32 @!p0 $0x0  }
0x1c: {  	s12 =	smul.u32 $0x30000, s12;
	_ =	sdelay $0x1  }
0x1d: {  	_ =	swait.ge [sflag:s5], $0x80;
	s13 =	sand.u32 $0x1, s9;
	s12 =	sshrl.u32 s12, $0x2  }
0x1e: {  	s14 =	simm.s32 $0x0;
	[sflag:s5] =	ssyncset.done $0x0;
	s12 =	sor.u32 $0x100, s12  }
0x1f: {  	s13 =	sshll.u32 s13, $0x7;
	[sflag:s5] =	ssyncadd.s32 $0xFFFFFF80;
	s15 =	smov.u32 s12  }
.LBB2_3:
0x20: {  	s16 =	sshll.u32 s14, $0x4  }
0x21: {  	s16 =	sand.u32 $0x3FFFFFF0, s16  }
0x22: {  	s16 =	sadd.s32 s16, s13  }
0x23: {  	v0 =	vld.msk [tilespmem:s16+$0x0 ss:$0x1], $0xffff;
	_ =	sdelay $0x4  }
0x24: {  	vm2 =	vgt.s32 v0, $0x0  }
0x25: {  	v0 =	vnsel vm2, $0x0, v0  }
0x26: {  	v0 =	vmin.u32 v0, $0x30FFF  }
0x27: {  	v1 =	vshrl.u32 v0, $0x3  }
0x28: {  	v0 =	vshll.u32 v0, $0x7;
	v1 =	vmul.u32 $0xC00, v1  }
0x29: {  	v0 =	vand.u32 $0x380, v0  }
0x2a: {  	v0 =	vor.u32 v0, v1  }
0x2b: {  	v0 =	vshrl.u32 v0, $0x3;
	_ =	sdelay $0x3  }
0x2c: {  	s17 =	sadd.s32 $0x0, s15  }
0x2d: {  	[tilespmem:s17], [sflag:$0x1] =	stream.indirect_vreg.gather [hbm:s2], $0x80, v0, vm0, $0x38;
	[tilespmem:$0x18100] =	vst v63  }
0x2e: {  	s16 =	simm.s32 $0x1000;
	v1 =	vadd.s32 $0x80, v0;
	s17 =	sadd.s32 $0xC00, s17  }
.LBB2_4:
0x2f: {  	[tilespmem:s17], [sflag:$0x1] =	stream.indirect_vreg.gather [hbm:s2], $0x80, v0, vm1, $0x38;
	[tilespmem:$0x18100] =	vst v63  }
0x30: {  	v0 =	vmov v1;
	s17 =	smov.u32 s16;
	p1 =	sne.s32 s16, $0x2000  }
.Ltmp3:
0x31: {  	s16 =	sadd.s32 $0x1000, s16;
	(pc) =	sbr.rel @p1 .LBB2_4-.Ltmp3, $4  }
0x32: {  	s17 =	sshra.s32 s17, $0x2  }
0x33: {  	s17 =	sadd.s32 s17, s15  }
0x34: {  	[tilespmem:s17], [sflag:$0x1] =	stream.indirect_vreg.gather [hbm:s2], $0x80, v1, vm0, $0x38;
	[tilespmem:$0x18100] =	vst v63  }
0x35: {  	s17 =	sadd.s32 $0xC00, s17;
	v1 =	vadd.s32 $0x80, v1  }
0x36: {  	s14 =	sadd.s32 $0x1, s14  }
0x37: {  	p1 =	sne.s32 s14, $0x8  }
.Ltmp4:
0x38: {  	_ = 	snop;
	(pc) =	sbr.rel @p1 .LBB2_3-.Ltmp4, $3  }
0x39: {  	_ =	sdelay $0x1  }
0x3a: {  	[tilespmem:s17], [sflag:$0x1] =	stream.indirect_vreg.gather [hbm:s2], $0x80, v0, vm1, $0x38;
	[tilespmem:$0x18100] =	vst v63  }
0x3b: {  	s15 =	sadd.s32 $0x1800, s15  }
0x3c: {  	s13 =	sshrl.u32 s11, $0x3  }
0x3d: {  	s13 =	smul.u32 $0x180, s13  }
0x3e: {  	s31 =	sshll.u32 s11, $0x4  }
0x3f: {  	_ =	swait.ge [sflag:s3], $0xC000;
	s11 =	sand.u32 $0x70, s31;
	s13 =	sadd.s32 s13, s7  }
0x40: {  	s14 =	sadd.s32 $0xC00, s12;
	[sflag:s3] =	ssyncset.done $0x0;
	s11 =	sadd.s32 s11, s13  }
0x41: {  	[sflag:s3] =	ssyncadd.s32 $0xFFFF4000;
	s13 =	simm.s32 $0x180;
	s15 =	sadd.s32 $0x0, s11  }
.LBB2_7:
0x42: {  	[hbm:s15] =	stream.linear.scatter [tilespmem:s12], [sflag:$0x3], $0xC00, $0x38;
	[tilespmem:$0x18100] =	vst v63  }
0x43: {  	s15 =	smov.u32 s13;
	s12 =	smov.u32 s14;
	p1 =	sne.s32 s13, $0x1680  }
.Ltmp5:
0x44: {  	s13 =	sadd.s32 $0x180, s13;
	(pc) =	sbr.rel @p1 .LBB2_7-.Ltmp5, $2  }
0x45: {  	_ =	sdelay $0x2  }
0x46: {  	s14 =	sadd.s32 $0xC00, s14;
	s15 =	sadd.s32 s15, s11  }
.Ltmp6:
0x47: {  	(pc) =	sbr.rel .LBB2_9-.Ltmp6, $2  }
0x48: {  	_ =	sdelay $0x2  }
0x49: {  	[hbm:s15] =	stream.linear.scatter [tilespmem:s12], [sflag:$0x3], $0xC00, $0x38;
	[tilespmem:$0x18100] =	vst v63  }
.LBB2_10:
0x4a: {  	_ =	sfence.sel $0x180000  }
0x4b: {  	s2 =	simm.s32 $0x2;
	[bflag:$0x0] =	sbarrier.arrive $0xFFFF  }
0x4c: {  	s30 =	simm.s32 $0x3;
	[sflag:s2] =	ssyncpa.u1 $0x1  }
0x4d: {  	s31 =	simm.s32 $0x1;
	[sflag:s30] =	ssyncpa.u1 $0x1  }
0x4e: {  	[sflag:s31] =	ssyncpa.u1 $0x1  }
0x4f: {  	p0 =	sne.s32 s1, $0x0;
	_ =	strace $0x9000004D  }
0x50: {  	s0 =	sadd.s32 @!p0 $0x100000, s0;
	[bflag:$0x2] =	sbarrier.arrive $0xFFFF  }
0x51: {  	[sflag:s0] =	ssyncadd.tile.s32 @!p0 $0x1;
	_ =	shalt  }
.Lfunc_end2:
_tile_overlayer_lowered:
.L_overlay_start_2:
0x52: {  	(tag) =	ssettag $0x2  }
0x53: {  	s0 =	rddreg [dreg:$0x0];
	s2 =	stileid.u32  }
0x54: {  	s1 =	rddreg [dreg:$0x1];
	p0 =	sne.s32 s2, $0x0  }
0x55: {  	s3 =	rddreg [dreg:$0x2];
	[bflag:$0x3] =	sbarrier.arrive $0xFFFF;
	s2 =	simm.s32 @!p0 $0x1C01  }
0x56: {  	[timem:s3], [sflag:s2] =	dma.local @!p0 [hbm:s0], s1  }
0x57: {  	s0 =	simm.s32 @!p0 $0x1  }
0x58: {  	_ =	swait.ge @!p0 [sflag:s0], s1  }
0x59: {  	s1 =	ssub.s32 @!p0 $0x0, s1;
	[sflag:s0] =	ssyncset.done @!p0 $0x0  }
0x5a: {  	[sflag:s0] =	ssyncadd.s32 @!p0 s1  }
0x5b: {  	[bflag:$0x3] =	sbarrier.arrive $0xFFFF  }
0x5c: {  	_ =	shalt  }

// kernel: gather_offload_async_start
scs
__scs_entry_jumppad:
0x0: {  	(pc) =	sbr.rel $0x88, $3  }
0x1: {  	(tag) =	ssettag $0x0;
	lr =	simm.s32 $0x1  }
0x2: {  	[smem:$0x3F9B] =	sst lr;
	_ =	strace $0xD0000000  }
0x3: {  	_ = 	snop  }
0x4: {  	_ = 	snop  }
0x5: {  	_ = 	snop  }
0x6: {  	_ = 	snop  }
0x7: {  	_ = 	snop  }
__scs_overlays_trampoline_lowered:
0x8: {  	[smem:$0x3FAA] =	sst s0  }
0x9: {  	[smem:$0x3FAB] =	sst s1  }
0xa: {  	[smem:$0x3FAC] =	sst s2  }
0xb: {  	[smem:$0x3FAD] =	sst s3  }
0xc: {  	[smem:$0x3FAE] =	sst s4  }
0xd: {  	[smem:$0x3FAF] =	sst s5  }
0xe: {  	[smem:$0x3FB0] =	sst s6  }
0xf: {  	[smem:$0x3FB1] =	sst s7  }
0x10: {  	[smem:$0x3FB2] =	sst s8  }
0x11: {  	[smem:$0x3FB3] =	sst s9;
	s0 =	simm.s32 @!p0 $0x0  }
0x12: {  	s1 =	sld [smem:$0x3F99];
	s0 =	simm.s32 @p0 $0x1  }
0x13: {  	[smem:$0x3FB4] =	sst s0;
	s0 =	simm.s32 @!p1 $0x0  }
0x14: {  	s2 =	sld [smem:$0x3F98];
	s0 =	simm.s32 @p1 $0x1  }
0x15: {  	[smem:$0x3FB5] =	sst s0;
	s0 =	simm.s32 @!p2 $0x0  }
0x16: {  	s3 =	sld [smem:$0x3FDB];
	s0 =	simm.s32 @p2 $0x1  }
0x17: {  	s4 =	simm.s32 $0x1BF5;
	[smem:$0x3FB7] =	sst s0  }
0x18: {  	s0 =	sld [smem:$0x3F9A];
	_ =	swait.ge [sflag:s4], $0x0  }
0x19: {  	s7 =	sld [smem:$0x3F9B]  }
0x1a: {  	s8 =	sadd.s32 $0xFFFFE003, lr  }
0x1b: {  	s9 =	sadd.s32 $0xFFFFFEF7, lr;
	s5 =	simm.s32 $0xFFFFFFFF;
	p2 =	slt.u32 s8, $0xFFFFF086  }
0x1c: {  	p1 =	slt.u32 s9, $0xF7A;
	s5 =	simm.s32 @!p2 $0x0  }
0x1d: {  	s5 =	simm.s32 @p1 $0x1;
	p0 =	seq.s32 s7, s2  }
0x1e: {  	s7 =	smul.u32 @!p0 $0xF7A, s2;
	p2 =	seq.s32 @!p0 s5, $0x0  }
0x1f: {  	s9 =	smul.u32 $0xF7A, s1;
	s8 =	simm.s32 @!p0 $0x1BF5;
	p2 =	por !p2, p0  }
0x20: {  	[sflag:s8] =	ssyncset.s32 @!p0 $0xFFFFF086;
	s6 =	sadd.s32 @!p0 s3, s7;
	s7 =	simm.s32 @!p0 $0x108  }
0x21: {  	s3 =	sadd.s32 s3, s9;
	s6 =	sadd.s32 @!p0 $0x88, s6;
	s7 =	simm.s32 @p2 $0x1082  }
0x22: {  	[simem:s7], [sflag:s8] =	dma.local @!p0 [hbm:s6], $0xF7A  }
0x23: {  	s9 =	sor.u32 $0xD0000000, s2;
	s6 =	simm.s32 $0x108;
	_ =	swait.ge @!p0 [sflag:s8], $0x0  }
0x24: {  	s3 =	sadd.s32 $0x88, s3;
	s6 =	simm.s32 @!p1 $0x1082;
	[sflag:s4] =	ssyncset.s32 $0xFFFFF086  }
0x25: {  	[simem:s6], [sflag:s4] =	dma.local [hbm:s3], $0xF7A  }
0x26: {  	[smem:$0x3F9B] =	sst s1;
	(tag) =	ssettag s2;
	_ =	strace s9  }
0x27: {  	s1 =	sld [smem:$0x3FAB]  }
0x28: {  	s2 =	sld [smem:$0x3FAC]  }
0x29: {  	s4 =	sld [smem:$0x3FAE]  }
0x2a: {  	p0 =	seq.s32 s5, $0x0;
	s5 =	sld [smem:$0x3FAF]  }
0x2b: {  	s6 =	sld [smem:$0x3FB0]  }
0x2c: {  	s7 =	sld [smem:$0x3FB1]  }
0x2d: {  	s3 =	simm.s32 $0x108;
	s8 =	sld [smem:$0x3FB2]  }
0x2e: {  	s3 =	simm.s32 @!p0 $0x1082;
	s9 =	sld [smem:$0x3FB3]  }
0x2f: {  	lr =	sadd.s32 s0, s3;
	s0 =	sld [smem:$0x3FAA]  }
0x30: {  	s3 =	sld [smem:$0x3FAD]  }
0x31: {  	[smem:$0x3FB6] =	sst s10  }
0x32: {  	s10 =	sld [smem:$0x3FB4];
	_ =	sdelay $0x3  }
0x33: {  	p0 =	seq.s32 s10, $0x1;
	s10 =	sld [smem:$0x3FB6];
	_ =	sdelay $0x3  }
0x34: {  	[smem:$0x3FB6] =	sst s10  }
0x35: {  	s10 =	sld [smem:$0x3FB5];
	_ =	sdelay $0x3  }
0x36: {  	p1 =	seq.s32 s10, $0x1;
	s10 =	sld [smem:$0x3FB6];
	_ =	sdelay $0x3  }
0x37: {  	[smem:$0x3FB6] =	sst s10  }
0x38: {  	s10 =	sld [smem:$0x3FB7]  }
0x39: {  	_ = 	snop;
	(pc) =	sbr.ind lr, $3  }
0x3a: {  	_ = 	snop  }
0x3b: {  	_ = 	snop  }
0x3c: {  	p2 =	seq.s32 s10, $0x1;
	s10 =	sld [smem:$0x3FB6]  }
0x3d: {  	_ =	shalt  }
0x3e: {  	_ =	shalt  }
0x3f: {  	_ =	shalt  }
0x40: {  	_ =	shalt  }
0x41: {  	_ =	shalt  }
0x42: {  	_ =	shalt  }
0x43: {  	_ =	shalt  }
0x44: {  	_ =	shalt  }
0x45: {  	_ =	shalt  }
0x46: {  	_ =	shalt  }
0x47: {  	_ =	shalt  }
0x48: {  	_ =	shalt  }
0x49: {  	_ =	shalt  }
0x4a: {  	_ =	shalt  }
0x4b: {  	_ =	shalt  }
0x4c: {  	_ =	shalt  }
0x4d: {  	_ =	shalt  }
0x4e: {  	_ =	shalt  }
0x4f: {  	_ =	shalt  }
0x50: {  	_ =	shalt  }
0x51: {  	_ =	shalt  }
0x52: {  	_ =	shalt  }
0x53: {  	_ =	shalt  }
0x54: {  	_ =	shalt  }
0x55: {  	_ =	shalt  }
0x56: {  	_ =	shalt  }
0x57: {  	_ =	shalt  }
0x58: {  	_ =	shalt  }
0x59: {  	_ =	shalt  }
0x5a: {  	_ =	shalt  }
0x5b: {  	_ =	shalt  }
0x5c: {  	_ =	shalt  }
0x5d: {  	_ =	shalt  }
0x5e: {  	_ =	shalt  }
0x5f: {  	_ =	shalt  }
0x60: {  	_ =	shalt  }
0x61: {  	_ =	shalt  }
0x62: {  	_ =	shalt  }
0x63: {  	_ =	shalt  }
0x64: {  	_ =	shalt  }
0x65: {  	_ =	shalt  }
0x66: {  	_ =	shalt  }
0x67: {  	_ =	shalt  }
0x68: {  	_ =	shalt  }
0x69: {  	_ =	shalt  }
0x6a: {  	_ =	shalt  }
0x6b: {  	_ =	shalt  }
0x6c: {  	_ =	shalt  }
0x6d: {  	_ =	shalt  }
0x6e: {  	_ =	shalt  }
0x6f: {  	_ =	shalt  }
0x70: {  	_ =	shalt  }
0x71: {  	_ =	shalt  }
0x72: {  	_ =	shalt  }
0x73: {  	_ =	shalt  }
0x74: {  	_ =	shalt  }
0x75: {  	_ =	shalt  }
0x76: {  	_ =	shalt  }
0x77: {  	_ =	shalt  }
0x78: {  	_ =	shalt  }
0x79: {  	_ =	shalt  }
0x7a: {  	_ =	shalt  }
0x7b: {  	_ =	shalt  }
0x7c: {  	_ =	shalt  }
0x7d: {  	_ =	shalt  }
0x7e: {  	_ =	shalt  }
0x7f: {  	_ =	shalt  }
0x80: {  	_ =	shalt  }
0x81: {  	_ =	shalt  }
0x82: {  	_ =	shalt  }
0x83: {  	_ =	shalt  }
0x84: {  	_ =	shalt  }
0x85: {  	_ =	shalt  }
0x86: {  	_ =	shalt  }
0x87: {  	_ =	shalt  }
.Lfunc_end0:
.L_simem_size_0:
called_computation.2_lowered:
.L_overlay_start_0:
0x88: {  	s2 =	sld [smem:$0x3FD9]  }
0x89: {  	s3 =	sld [smem:$0x3FFE];
	_ =	sdelay $0x1  }
0x8a: {  	s1 =	srdreg.scid  }
0x8b: {  	s0 =	sand.u32 $0x1, s1  }
0x8c: {  	s16 =	sshll.u32 s0, $0xA;
	s2 =	sadd.s32 s3, s2  }
0x8d: {  	s2 =	sadd.s32 s2, s16  }
0x8e: {  	[smem:$0x3FC2] =	sst s2  }
0x8f: {  	_ = 	snop  }
0x90: {  	(tm) =	ssettm $0x1  }
0x91: {  	s17 =	sld [smem:$0x3FFB];
	_ =	sdelay $0x3  }
0x92: {  	_ =	strace s17  }
0x93: {  	s2 =	sld [smem:$0x3FFC];
	_ =	sdelay $0x3  }
0x94: {  	_ =	strace s2  }
0x95: {  	s2 =	sld [smem:$0x3FFD];
	_ =	sdelay $0x3  }
0x96: {  	_ =	strace s2  }
0x97: {  	_ =	strace $0x8FFFFFFF  }
0x98: {  	s18 =	sld [smem:$0x3FDB];
	_ =	sdelay $0x1  }
0x99: {  	s19 =	simm.s32 $_scs_section_size  }
0x9a: {  	s4 =	simm.s32 $_size__tile_overlayer_lowered;
	s5 =	simm.s32 $_tile_overlayer_lowered  }
0x9b: {  	s22 =	simm.s32 $0x1BFF;
	s21 =	sshll.u32 s5, $0x1;
	s2 =	sadd.s32 s19, s18  }
0x9c: {  	s6 =	simm.s32 $0x0;
	s20 =	sshll.u32 s4, $0x1;
	s4 =	sadd.s32 s21, s2  }
0x9d: {  	[timem:s6], [sflag:s22] =	dma.local [hbm:s4], s20  }
0x9e: {  	_ =	swait.ge [sflag:s22], s20  }
0x9f: {  	s3 =	ssub.s32 $0x0, s20;
	[sflag:s22] =	ssyncset.done $0x0  }
0xa0: {  	[sflag:s22] =	ssyncadd.s32 s3;
	_ =	sdelay $0x1  }
0xa1: {  	s23 =	simm.s32 $0x1B8B  }
0xa2: {  	_ =	swait.ge [sflag:s23], $0x1  }
0xa3: {  	[sflag:s23] =	ssyncset.done $0x0  }
0xa4: {  	s25 =	simm.s32 $0x1B8E;
	s24 =	sld [smem:$0x3FFE];
	[sflag:s23] =	ssyncadd.s32 $0xFFFFFFFF  }
0xa5: {  	s26 =	simm.s32 $execute0_lowered;
	[smem:$0x3FD2] =	sst s25  }
0xa6: {  	s4 =	sshll.u32 s26, $0x1;
	_ =	strace $0x80000049;
	[dreg:$0x1] =	wrdreg $0xFFFFFFFF  }
0xa7: {  	s28 =	simm.s32 $_size_execute0_lowered;
	s2 =	sadd.s32 s2, s4;
	[dreg:$0x0] =	wrdreg $0x0  }
0xa8: {  	s4 =	sshll.u32 s28, $0x1;
	[dreg:$0x2] =	wrdreg s2  }
0xa9: {  	[dreg:$0x3] =	wrdreg s4  }
0xaa: {  	[dreg:$0x4] =	wrdreg $0xC0  }
0xab: {  	_ =	task [dreg:s6], $0x5FFFF  }
0xac: {  	[dreg:$0x1] =	wrdreg $0xFFFFFFFF  }
0xad: {  	[dreg:$0x0] =	wrdreg $0x60  }
0xae: {  	[dreg:$0x2] =	wrdreg s24  }
0xaf: {  	[dreg:$0x3] =	wrdreg $0x9  }
0xb0: {  	_ =	task.clear_ibuf [dreg:s6], $0x4FFFF;
	_ =	strace $0x90000049  }
0xb1: {  	s29 =	simm.s32 $0x9;
	_ =	strace $0x8000004B  }
0xb2: {  	_ =	swait.ge [sflag:s29], $0x1  }
0xb3: {  	[sflag:s29] =	ssyncadd.s32 $0xFFFFFFFF  }
0xb4: {  	_ =	strace $0x9000004B  }
0xb5: {  	_ =	sfence  }
0xb6: {  	s30 =	sld [smem:$0x0];
	_ =	sdelay $0x2  }
0xb7: {  	s31 =	sshll.u32 s1, $0xD;
	s1 =	sshrl.u32 s1, $0x2  }
0xb8: {  	s3 =	sand.u32 $0x4000, s31;
	s1 =	sadd.s32 s1, s30  }
0xb9: {  	s0 =	sor.u32 s3, s0;
	s1 =	sshll.u32 s1, $0x11  }
0xba: {  	s0 =	sor.u32 s1, s0  }
0xbb: {  	s0 =	sadd.s32 $0x8F2B, s0  }
0xbc: {  	[sflag:s0] =	ssyncadd.remote.s32 $0x1  }
0xbd: {  	_ =	sfence.sel $0xFFFF  }
0xbe: {  	[dreg:$0x0] =	wrdreg $0xFFFFFFFF;
	(pc) =	sbr.abs _section_cstart, $3  }
0xbf: {  	[dreg:$0x1] =	wrdreg $0xFFFFFFFF  }
0xc0: {  	_ =	task.clear_ibuf [dreg:s6], $0x2FFFF;
	_ =	strace $0x9FFFFFFF  }
0xc1: {  	(tm) =	ssettm $0x7FFFFFFF  }
tec
execute0_lowered:
.L_overlay_start_1:
0x0: {  	(tag) =	ssettag $0x1  }
0x1: {  	s7 =	rddreg [dreg:$0x0]  }
0x2: {  	s1 =	srdreg.scid;
	s0 =	rddreg [dreg:$0x1]  }
0x3: {  	_ =	strace $0x8000004A;
	s3 =	simm.s32 $0x1;
	s5 =	simm.s32 $0x2  }
0x4: {  	s9 =	simm.s32 $0x3;
	s11 =	simm.s32 $0x0;
	s2 =	sshll.u32 s1, $0x4  }
.Ltmp0:
0x5: {  	s1 =	stileid.u32;
	s4 =	sand.u32 $0x10, s2;
	(pc) =	sbr.rel .LBB2_1-.Ltmp0, $4  }
0x6: {  	p0 =	por $0x0, $0x0;
	[sflag:s3] =	ssyncpa.u1 $0x0;
	s4 =	sor.u32 s1, s4  }
0x7: {  	s6 =	sadd.s32 $0x4BE400, s7;
	[sflag:s5] =	ssyncpa.u1 $0x0;
	s4 =	smul.u32 $0x1880, s4  }
0x8: {  	s2 =	sadd.s32 $0x1200, s7;
	s7 =	sadd.s32 $0x4C4600, s7;
	[sflag:s9] =	ssyncpa.u1 $0x0  }
0x9: {  	vm0 =	vmmov $0xff;
	vm1 =	vcmask $0x3F20;
	s9 =	simm.s32 $0x0;
	s8 =	sadd.s32 $0x1880, s4;
	s10 =	smov.u32 s4  }
.LBB2_9:
0xa: {  	p1 =	slt.u32 s9, $0x2;
	s11 =	sadd.s32 $0x80, s10  }
0xb: {  	s13 =	smov.u32 s4;
	s9 =	sadd.s32 $0x1, s9;
	p2 =	slt.s32 s11, s8  }
0xc: {  	s13 =	smov.u32 @p2 s11;
	p2 =	sne.s32 s9, $0x33  }
.Ltmp1:
0xd: {  	_ = 	snop;
	(pc) =	sbr.rel @!p2 .LBB2_10-.Ltmp1, $4  }
0xe: {  	s12 =	simm.s32 @!p1 $0x3  }
0xf: {  	_ =	swait.ge @!p1 [sflag:s12], $0xC000  }
0x10: {  	p0 =	por !p0, !p0;
	[sflag:s12] =	ssyncset.done @!p1 $0x0  }
0x11: {  	s11 =	smov.u32 s10;
	s10 =	smov.u32 s13;
	[sflag:s12] =	ssyncadd.s32 @!p1 $0xFFFF4000  }
.LBB2_1:
0x12: {  	p1 =	sgt.u32 s9, $0x30  }
0x13: {  	s12 =	sxor.u32 @!p1 $0xFFFFFFFF, s9  }
0x14: {  	s31 =	sadd.s32 $0xFFFFFFFF, s9;
	s13 =	sshrl.u32 @!p1 s10, $0x3;
	s12 =	sshll.u32 @!p1 s12, $0x7  }
0x15: {  	s14 =	sand.u32 @!p1 $0x7, s10;
	s13 =	sadd.s32 @!p1 s6, s13;
	s12 =	sand.u32 @!p1 $0x80, s12  }
0x16: {  	[tilespmem:s12], [sflag:$0x2] =	stream.linear.gather @!p1 [hbm4b:s13+s14], $0x80, $0x38;
	[tilespmem:$0x18100] =	vst v63  }
0x17: {  	p1 =	sgt.u32 s31, $0x30  }
.Ltmp2:
0x18: {  	_ = 	snop;
	(pc) =	sbr.rel @p1 .LBB2_9-.Ltmp2, $1  }
0x19: {  	_ =	sdelay $0x3  }
0x1a: {  	s12 =	simm.s32 $0x1  }
0x1b: {  	s12 =	simm.s32 @!p0 $0x0  }
0x1c: {  	s12 =	smul.u32 $0x30000, s12;
	_ =	sdelay $0x1  }
0x1d: {  	_ =	swait.ge [sflag:s5], $0x80;
	s13 =	sand.u32 $0x1, s9;
	s12 =	sshrl.u32 s12, $0x2  }
0x1e: {  	s14 =	simm.s32 $0x0;
	[sflag:s5] =	ssyncset.done $0x0;
	s12 =	sor.u32 $0x100, s12  }
0x1f: {  	s13 =	sshll.u32 s13, $0x7;
	[sflag:s5] =	ssyncadd.s32 $0xFFFFFF80;
	s15 =	smov.u32 s12  }
.LBB2_3:
0x20: {  	s16 =	sshll.u32 s14, $0x4  }
0x21: {  	s16 =	sand.u32 $0x3FFFFFF0, s16  }
0x22: {  	s16 =	sadd.s32 s16, s13  }
0x23: {  	v0 =	vld.msk [tilespmem:s16+$0x0 ss:$0x1], $0xffff;
	_ =	sdelay $0x4  }
0x24: {  	vm2 =	vgt.s32 v0, $0x0  }
0x25: {  	v0 =	vnsel vm2, $0x0, v0  }
0x26: {  	v0 =	vmin.u32 v0, $0xC7FF  }
0x27: {  	v1 =	vshrl.u32 v0, $0x3  }
0x28: {  	v0 =	vshll.u32 v0, $0x7;
	v1 =	vmul.u32 $0xC00, v1  }
0x29: {  	v0 =	vand.u32 $0x380, v0  }
0x2a: {  	v0 =	vor.u32 v0, v1  }
0x2b: {  	v0 =	vshrl.u32 v0, $0x3;
	_ =	sdelay $0x3  }
0x2c: {  	s17 =	sadd.s32 $0x0, s15  }
0x2d: {  	[tilespmem:s17], [sflag:$0x1] =	stream.indirect_vreg.gather [hbm:s2], $0x80, v0, vm0, $0x38;
	[tilespmem:$0x18100] =	vst v63  }
0x2e: {  	s16 =	simm.s32 $0x1000;
	v1 =	vadd.s32 $0x80, v0;
	s17 =	sadd.s32 $0xC00, s17  }
.LBB2_4:
0x2f: {  	[tilespmem:s17], [sflag:$0x1] =	stream.indirect_vreg.gather [hbm:s2], $0x80, v0, vm1, $0x38;
	[tilespmem:$0x18100] =	vst v63  }
0x30: {  	v0 =	vmov v1;
	s17 =	smov.u32 s16;
	p1 =	sne.s32 s16, $0x2000  }
.Ltmp3:
0x31: {  	s16 =	sadd.s32 $0x1000, s16;
	(pc) =	sbr.rel @p1 .LBB2_4-.Ltmp3, $4  }
0x32: {  	s17 =	sshra.s32 s17, $0x2  }
0x33: {  	s17 =	sadd.s32 s17, s15  }
0x34: {  	[tilespmem:s17], [sflag:$0x1] =	stream.indirect_vreg.gather [hbm:s2], $0x80, v1, vm0, $0x38;
	[tilespmem:$0x18100] =	vst v63  }
0x35: {  	s17 =	sadd.s32 $0xC00, s17;
	v1 =	vadd.s32 $0x80, v1  }
0x36: {  	s14 =	sadd.s32 $0x1, s14  }
0x37: {  	p1 =	sne.s32 s14, $0x8  }
.Ltmp4:
0x38: {  	_ = 	snop;
	(pc) =	sbr.rel @p1 .LBB2_3-.Ltmp4, $3  }
0x39: {  	_ =	sdelay $0x1  }
0x3a: {  	[tilespmem:s17], [sflag:$0x1] =	stream.indirect_vreg.gather [hbm:s2], $0x80, v0, vm1, $0x38;
	[tilespmem:$0x18100] =	vst v63  }
0x3b: {  	s15 =	sadd.s32 $0x1800, s15  }
0x3c: {  	s13 =	sshrl.u32 s11, $0x3  }
0x3d: {  	s13 =	smul.u32 $0x180, s13  }
0x3e: {  	s31 =	sshll.u32 s11, $0x4  }
0x3f: {  	_ =	swait.ge [sflag:s3], $0xC000;
	s11 =	sand.u32 $0x70, s31;
	s13 =	sadd.s32 s13, s7  }
0x40: {  	s14 =	sadd.s32 $0xC00, s12;
	[sflag:s3] =	ssyncset.done $0x0;
	s11 =	sadd.s32 s11, s13  }
0x41: {  	[sflag:s3] =	ssyncadd.s32 $0xFFFF4000;
	s13 =	simm.s32 $0x180;
	s15 =	sadd.s32 $0x0, s11  }
.LBB2_7:
0x42: {  	[hbm:s15] =	stream.linear.scatter [tilespmem:s12], [sflag:$0x3], $0xC00, $0x38;
	[tilespmem:$0x18100] =	vst v63  }
0x43: {  	s15 =	smov.u32 s13;
	s12 =	smov.u32 s14;
	p1 =	sne.s32 s13, $0x1680  }
.Ltmp5:
0x44: {  	s13 =	sadd.s32 $0x180, s13;
	(pc) =	sbr.rel @p1 .LBB2_7-.Ltmp5, $2  }
0x45: {  	_ =	sdelay $0x2  }
0x46: {  	s14 =	sadd.s32 $0xC00, s14;
	s15 =	sadd.s32 s15, s11  }
.Ltmp6:
0x47: {  	(pc) =	sbr.rel .LBB2_9-.Ltmp6, $2  }
0x48: {  	_ =	sdelay $0x2  }
0x49: {  	[hbm:s15] =	stream.linear.scatter [tilespmem:s12], [sflag:$0x3], $0xC00, $0x38;
	[tilespmem:$0x18100] =	vst v63  }
.LBB2_10:
0x4a: {  	_ =	sfence.sel $0x180000  }
0x4b: {  	s2 =	simm.s32 $0x2;
	[bflag:$0x0] =	sbarrier.arrive $0xFFFF  }
0x4c: {  	s30 =	simm.s32 $0x3;
	[sflag:s2] =	ssyncpa.u1 $0x1  }
0x4d: {  	s31 =	simm.s32 $0x1;
	[sflag:s30] =	ssyncpa.u1 $0x1  }
0x4e: {  	[sflag:s31] =	ssyncpa.u1 $0x1  }
0x4f: {  	p0 =	sne.s32 s1, $0x0;
	_ =	strace $0x9000004A  }
0x50: {  	s0 =	sadd.s32 @!p0 $0x100000, s0;
	[bflag:$0x2] =	sbarrier.arrive $0xFFFF  }
0x51: {  	[sflag:s0] =	ssyncadd.tile.s32 @!p0 $0x1;
	_ =	shalt  }
.Lfunc_end2:
_tile_overlayer_lowered:
.L_overlay_start_2:
0x52: {  	(tag) =	ssettag $0x2  }
0x53: {  	s0 =	rddreg [dreg:$0x0];
	s2 =	stileid.u32  }
0x54: {  	s1 =	rddreg [dreg:$0x1];
	p0 =	sne.s32 s2, $0x0  }
0x55: {  	s3 =	rddreg [dreg:$0x2];
	[bflag:$0x3] =	sbarrier.arrive $0xFFFF;
	s2 =	simm.s32 @!p0 $0x1C01  }
0x56: {  	[timem:s3], [sflag:s2] =	dma.local @!p0 [hbm:s0], s1  }
0x57: {  	s0 =	simm.s32 @!p0 $0x1  }
0x58: {  	_ =	swait.ge @!p0 [sflag:s0], s1  }
0x59: {  	s1 =	ssub.s32 @!p0 $0x0, s1;
	[sflag:s0] =	ssyncset.done @!p0 $0x0  }
0x5a: {  	[sflag:s0] =	ssyncadd.s32 @!p0 s1  }
0x5b: {  	[bflag:$0x3] =	sbarrier.arrive $0xFFFF  }
0x5c: {  	_ =	shalt  }

// kernel: sparse-core-data-format-call.1.cloned.1.call-start
scs
called_computation.1_lowered:
.L_overlay_start_0:
0x0: {  	s2 =	sld [smem:$0x3FD9]  }
0x1: {  	s3 =	sld [smem:$0x3FFE];
	_ =	sdelay $0x1  }
0x2: {  	s1 =	srdreg.scid  }
0x3: {  	s0 =	sand.u32 $0x1, s1  }
0x4: {  	s18 =	sshll.u32 s0, $0xA;
	s2 =	sadd.s32 s3, s2  }
0x5: {  	s2 =	sadd.s32 s2, s18  }
0x6: {  	[smem:$0x3FC2] =	sst s2  }
0x7: {  	_ = 	snop  }
0x8: {  	s19 =	sld [smem:$0x3FD0];
	(tm) =	ssettm $0x1  }
0x9: {  	s20 =	sld [smem:$0x3FFB];
	_ =	sdelay $0x3  }
0xa: {  	_ =	strace s20  }
0xb: {  	s2 =	sld [smem:$0x3FFC];
	_ =	sdelay $0x3  }
0xc: {  	_ =	strace s2  }
0xd: {  	s2 =	sld [smem:$0x3FFD];
	_ =	sdelay $0x3  }
0xe: {  	_ =	strace s2  }
0xf: {  	_ =	strace $0x8FFFFFFF  }
0x10: {  	s21 =	sld [smem:$0x3FDB];
	_ =	sdelay $0x1  }
0x11: {  	s4 =	simm.s32 $_scs_section_size  }
0x12: {  	s5 =	simm.s32 $_size__tile_overlayer_lowered;
	s6 =	simm.s32 $_tile_overlayer_lowered  }
0x13: {  	s7 =	simm.s32 $0x1BFF;
	s22 =	sshll.u32 s6, $0x1;
	s4 =	sadd.s32 s4, s21  }
0x14: {  	s23 =	simm.s32 $0x0;
	s5 =	sshll.u32 s5, $0x1;
	s6 =	sadd.s32 s22, s4  }
0x15: {  	[timem:s23], [sflag:s7] =	dma.local [hbm:s6], s5  }
0x16: {  	_ =	swait.ge [sflag:s7], s5  }
0x17: {  	s5 =	ssub.s32 $0x0, s5;
	[sflag:s7] =	ssyncset.done $0x0  }
0x18: {  	[sflag:s7] =	ssyncadd.s32 s5;
	_ =	sdelay $0x1  }
0x19: {  	s24 =	simm.s32 $0x1B8B  }
0x1a: {  	_ =	swait.ge [sflag:s24], $0x1  }
0x1b: {  	[sflag:s24] =	ssyncset.done $0x0  }
0x1c: {  	[sflag:s24] =	ssyncadd.s32 $0xFFFFFFFF  }
0x1d: {  	s5 =	sld [smem:$0x0]  }
0x1e: {  	s6 =	sand.u32 $0xFFFFFFFE, s1  }
0x1f: {  	p0 =	sne.s32 s1, s6  }
0x20: {  	s6 =	sshll.u32 @p0 s6, $0xE  }
0x21: {  	s6 =	sadd.s32 @p0 $0x11B8D, s6;
	s7 =	sshll.u32 @p0 s5, $0x11  }
0x22: {  	s6 =	sor.u32 @p0 s7, s6  }
0x23: {  	[sflag:s6] =	ssyncadd.remote.s32 @p0 $0x1;
	_ =	sdelay $0x1  }
0x24: {  	s6 =	simm.s32 @p0 $0x1B8D  }
0x25: {  	_ =	swait.eq @p0 [sflag:s6], $0x1  }
0x26: {  	[sflag:s6] =	ssyncadd.s32 @p0 $0xFFFFFFFF  }
0x27: {  	s7 =	sshll.u32 @!p0 s1, $0xE  }
0x28: {  	s7 =	sor.u32 @!p0 $0x4000, s7;
	s6 =	simm.s32 @!p0 $0x1B8D  }
0x29: {  	s5 =	sshll.u32 @!p0 s5, $0x11;
	s7 =	sadd.s32 @!p0 $0x11B8D, s7;
	_ =	swait.eq @!p0 [sflag:s6], $0x1  }
0x2a: {  	s5 =	sor.u32 @!p0 s5, s7;
	[sflag:s6] =	ssyncadd.s32 @!p0 $0xFFFFFFFF  }
0x2b: {  	s26 =	simm.s32 $0x1B8E;
	s25 =	sld [smem:$0x3FFE];
	[sflag:s5] =	ssyncadd.remote.s32 @!p0 $0x1  }
0x2c: {  	s27 =	simm.s32 $execute0_lowered;
	[smem:$0x3FD2] =	sst s26  }
0x2d: {  	s6 =	sshll.u32 s27, $0x1;
	_ =	strace $0x8000004F;
	[dreg:$0x1] =	wrdreg $0xFFFFFFFF  }
0x2e: {  	s28 =	simm.s32 $_size_execute0_lowered;
	s4 =	sadd.s32 s4, s6;
	[dreg:$0x0] =	wrdreg $0x0  }
0x2f: {  	s6 =	sshll.u32 s28, $0x1;
	[dreg:$0x2] =	wrdreg s4  }
0x30: {  	[dreg:$0x3] =	wrdreg s6  }
0x31: {  	[dreg:$0x4] =	wrdreg $0xC0  }
0x32: {  	_ =	task [dreg:s23], $0x5FFFF  }
0x33: {  	[dreg:$0x1] =	wrdreg $0xFFFFFFFF  }
0x34: {  	[dreg:$0x0] =	wrdreg $0x60  }
0x35: {  	[dreg:$0x2] =	wrdreg s19  }
0x36: {  	[dreg:$0x3] =	wrdreg s25  }
0x37: {  	[dreg:$0x4] =	wrdreg $0x9  }
0x38: {  	_ =	task.clear_ibuf [dreg:s23], $0x5FFFF;
	_ =	strace $0x9000004F  }
0x39: {  	s29 =	simm.s32 $0x9;
	_ =	strace $0x80000051  }
0x3a: {  	_ =	swait.ge [sflag:s29], $0x1  }
0x3b: {  	[sflag:s29] =	ssyncadd.s32 $0xFFFFFFFF  }
0x3c: {  	_ =	strace $0x90000051  }
0x3d: {  	_ =	sfence  }
0x3e: {  	s30 =	sld [smem:$0x0];
	_ =	sdelay $0x2  }
0x3f: {  	s31 =	sshll.u32 s1, $0xD;
	s1 =	sshrl.u32 s1, $0x2  }
0x40: {  	s4 =	sand.u32 $0x4000, s31;
	s1 =	sadd.s32 s1, s30  }
0x41: {  	s0 =	sor.u32 s4, s0;
	s1 =	sshll.u32 s1, $0x11  }
0x42: {  	s0 =	sor.u32 s1, s0  }
0x43: {  	s0 =	sadd.s32 $0x8F2B, s0  }
0x44: {  	[sflag:s0] =	ssyncadd.remote.s32 $0x1  }
0x45: {  	_ =	sfence.sel $0xFFFF  }
0x46: {  	[dreg:$0x0] =	wrdreg $0xFFFFFFFF;
	(pc) =	sbr.abs _section_cstart, $3  }
0x47: {  	[dreg:$0x1] =	wrdreg $0xFFFFFFFF  }
0x48: {  	_ =	task.clear_ibuf [dreg:s23], $0x2FFFF;
	_ =	strace $0x9FFFFFFF  }
0x49: {  	(tm) =	ssettm $0x7FFFFFFF  }
tec
execute0_lowered:
.L_overlay_start_1:
0x0: {  	(tag) =	ssettag $0x1  }
0x1: {  	s0 =	srdreg.scid  }
0x2: {  	s1 =	sshll.u32 s0, $0x4  }
0x3: {  	s3 =	rddreg [dreg:$0x0];
	s0 =	stileid.u32;
	s1 =	sand.u32 $0x10, s1  }
0x4: {  	s6 =	rddreg [dreg:$0x1];
	s7 =	simm.s32 $0x2;
	s1 =	sor.u32 s0, s1  }
0x5: {  	s16 =	simm.s32 $0x0;
	s8 =	simm.s32 $0x300;
	s2 =	sshll.u32 s1, $0x3  }
0x6: {  	s14 =	simm.s32 $0x0;
	s17 =	simm.s32 $0x0;
	s1 =	ssub.s32 $0x1880, s2  }
0x7: {  	s15 =	simm.s32 $0x0;
	s9 =	simm.s32 $0x0;
	s4 =	sand.u32 $0xF8, s1  }
0x8: {  	s10 =	simm.s32 $0x0;
	p0 =	sne.s32 s4, $0x0;
	s4 =	simm.s32 $0x1  }
.Ltmp0:
0x9: {  	s5 =	sshrl.u32 s1, $0x8;
	s4 =	simm.s32 @!p0 $0x0;
	(pc) =	sbr.rel .LBB1_1-.Ltmp0, $4  }
0xa: {  	s11 =	simm.s32 $0x0;
	s1 =	rddreg [dreg:$0x2];
	s5 =	sadd.s32 s4, s5  }
0xb: {  	_ =	strace $0x80000050;
	s4 =	simm.s32 $0x1;
	s5 =	smul.u32 $0x3, s5  }
0xc: {  	s13 =	simm.s32 $0x0;
	s6 =	sadd.s32 $0x1200, s6;
	[sflag:s4] =	ssyncpa.u1 $0x0  }
0xd: {  	s12 =	smov.u32 s2;
	[sflag:s7] =	ssyncpa.u1 $0x0;
	s7 =	sadd.s32 $0x1, s5  }
.LBB1_9:
0xe: {  	s18 =	sadd.s32 $0x80, s9  }
0xf: {  	s14 =	sadd.s32 $0x4, s10;
	s19 =	smov.u32 s10;
	p1 =	sgt.s32 s18, $0x17F  }
0x10: {  	s19 =	smov.u32 @p1 s14  }
0x11: {  	s20 =	smov.u32 s11;
	s14 =	sadd.s32 $0x8, s11;
	p2 =	sgt.s32 s19, $0x3  }
0x12: {  	s20 =	smov.u32 @p2 s14  }
0x13: {  	s21 =	smov.u32 s12;
	s14 =	sadd.s32 $0x100, s12;
	p3 =	sgt.s32 s20, $0x7  }
0x14: {  	s21 =	smov.u32 @p3 s14  }
0x15: {  	p0 =	slt.u32 s13, $0x2;
	s18 =	simm.s32 @p1 $0x0;
	p1 =	sgt.s32 s21, $0x187F  }
0x16: {  	s22 =	simm.s32 @!p0 $0x2;
	s21 =	smov.u32 @p1 s2;
	p1 =	sne.s32 s13, s7  }
.Ltmp1:
0x17: {  	s16 =	smov.u32 s9;
	_ =	swait.ge @!p0 [sflag:s22], $0x2000;
	(pc) =	sbr.rel @!p1 .LBB1_10-.Ltmp1, $4  }
0x18: {  	s17 =	smov.u32 s11;
	s15 =	smov.u32 s12;
	[sflag:s22] =	ssyncset.done @!p0 $0x0  }
0x19: {  	s9 =	smov.u32 s18;
	s19 =	simm.s32 @p2 $0x0;
	[sflag:s22] =	ssyncadd.s32 @!p0 $0xFFFFE000  }
0x1a: {  	s20 =	simm.s32 @p3 $0x0;
	s14 =	smov.u32 s10;
	s10 =	smov.u32 s19  }
0x1b: {  	s11 =	smov.u32 s20;
	s13 =	sadd.s32 $0x1, s13;
	s12 =	smov.u32 s21  }
.LBB1_1:
0x1c: {  	p0 =	sge.u32 s13, s5  }
0x1d: {  	s18 =	sshrl.u32 @!p0 s10, $0x2  }
0x1e: {  	s19 =	sshll.u32 @!p0 s9, $0x2;
	s18 =	smul.u32 @!p0 $0x600, s18  }
0x1f: {  	s20 =	sand.u32 @!p0 $0xFFFFFE00, s19  }
0x20: {  	s19 =	sand.u32 @!p0 $0x1FC, s19;
	s18 =	sadd.s32 @!p0 s18, s20  }
0x21: {  	s20 =	sand.u32 @!p0 $0x3, s10;
	s18 =	sor.u32 @!p0 s19, s18  }
0x22: {  	s19 =	sor.u32 @!p0 s20, s18;
	s18 =	smulhi.u32 @!p0 $0xAAAAAAAB, s18  }
0x23: {  	s20 =	smulhi.u32 @!p0 $0xAAAAAAAB, s19  }
0x24: {  	s21 =	smul.u32 @!p0 $0x180, s12  }
0x25: {  	s22 =	smul.u32 @!p0 $0x30, s11;
	s18 =	sshrl.u32 @!p0 s18, $0x8;
	s20 =	sshrl.u32 @!p0 s20, $0x8  }
0x26: {  	s18 =	sand.u32 @!p0 $0x3, s18;
	s20 =	smul.u32 @!p0 $0x180, s20  }
0x27: {  	s31 =	sadd.s32 $0xFFFFFFFF, s13;
	s21 =	sadd.s32 @!p0 s3, s21;
	s18 =	smul.u32 @!p0 $0xC, s18  }
0x28: {  	s23 =	sxor.u32 @!p0 $0xFFFFFFFF, s13;
	s19 =	ssub.s32 @!p0 s19, s20;
	s20 =	sadd.s32 @!p0 s22, s21  }
0x29: {  	s21 =	sshrl.u32 @!p0 s19, $0x5;
	s18 =	sadd.s32 @!p0 s18, s20;
	s19 =	sshll.u32 @!p0 s19, $0x10  }
0x2a: {  	s20 =	sshll.u32 @!p0 s23, $0xD;
	s18 =	sadd.s32 @!p0 s21, s18;
	s19 =	sand.u32 @!p0 $0x1C0000, s19  }
0x2b: {  	s20 =	sand.u32 @!p0 $0x2000, s20;
	s21 =	simm.s32 @!p0 $0x180;
	s19 =	sor.u32 @!p0 $0x80, s19  }
0x2c: {  	[tilespmem:s20], [sflag:$0x1] =	stream.strided.gather @!p0 [hbm4b:s18+s19], $0x2000, s21, s19, $0x38;
	[tilespmem:$0x8000] =	vst v63  }
0x2d: {  	p0 =	sge.u32 s31, s5  }
.Ltmp2:
0x2e: {  	_ = 	snop;
	(pc) =	sbr.rel @p0 .LBB1_9-.Ltmp2, $1  }
0x2f: {  	_ =	sdelay $0x3  }
0x30: {  	_ =	swait.ge [sflag:s4], $0x2000;
	s18 =	sshll.u32 s13, $0xD  }
0x31: {  	[sflag:s4] =	ssyncset.done $0x0;
	s19 =	sand.u32 $0x2000, s18  }
0x32: {  	s20 =	simm.s32 $0x0;
	[sflag:s4] =	ssyncadd.s32 $0xFFFFE000;
	s18 =	sor.u32 $0x4000, s19  }
.LBB1_3:
0x33: {  	s21 =	sshll.u32 s20, $0xC  }
0x34: {  	s21 =	sshra.s32 s21, $0x2  }
0x35: {  	s22 =	sadd.s32 s21, s18  }
0x36: {  	s23 =	sadd.s32 $0x100, s22;
	s24 =	sadd.s32 $0x200, s22;
	s25 =	sadd.s32 $0x300, s22;
	v0 =	vmov s22  }
0x37: {  	p1 =	por $0x1, $0x1;
	s21 =	sadd.s32 s21, s19;
	s22 =	simm.s32 $0x0;
	v1 =	vmov s23;
	v2 =	vmov s24;
	v3 =	vmov s25  }
.LBB1_4:
0x38: {  	s23 =	sadd.s32 s22, s21  }
0x39: {  	s24 =	sadd.s32 $0x80, s23;
	v4 =	vmov s23  }
0x3a: {  	s25 =	sadd.s32 $0x100, s23;
	v5 =	vmov s24  }
0x3b: {  	v6 =	vmov s25  }
0x3c: {  	s26 =	sadd.s32 $0x180, s23  }
0x3d: {  	p0 =	por p1, p1;
	p1 =	por $0x1, $0x1;
	s23 =	simm.s32 $0x0;
	v7 =	vmov s26  }
.LBB1_5:
0x3e: {  	v8 =	vld.idx.msk [tilespmem:v4+s23+$0x0 ss:$0x1], $0xffff  }
0x3f: {  	v9 =	vld.idx.msk [tilespmem:v5+s23+$0x0 ss:$0x1], $0xffff  }
0x40: {  	v10 =	vld.idx.msk [tilespmem:v6+s23+$0x0 ss:$0x1], $0xffff;
	_ =	sdelay $0x1  }
0x41: {  	v13 =	vld.idx.msk [tilespmem:v7+s23+$0x0 ss:$0x1], $0xffff  }
0x42: {  	v24 =	vld.idx.msk [tilespmem:v4+s23+$0x10 ss:$0x1], $0xffff;
	v11 =	vshrl.u32 v8, $0x10;
	v12 =	vshrl.u32 v8, $0x8;
	v14 =	vshrl.u32 v8, $0x18  }
0x43: {  	v39 =	vld.idx.msk [tilespmem:v5+s23+$0x10 ss:$0x1], $0xffff;
	v8 =	vand.u32 $0xFF, v8;
	v15 =	vshrl.u32 v9, $0x10;
	v16 =	vshrl.u32 v9, $0x8  }
0x44: {  	v44 =	vld.idx.msk [tilespmem:v6+s23+$0x10 ss:$0x1], $0xffff;
	v17 =	vshrl.u32 v9, $0x18;
	v9 =	vand.u32 $0xFF, v9;
	v18 =	vshrl.u32 v10, $0x10  }
0x45: {  	v47 =	vld.idx.msk [tilespmem:v7+s23+$0x10 ss:$0x1], $0xffff;
	v19 =	vshrl.u32 v10, $0x8;
	v20 =	vshrl.u32 v10, $0x18;
	v10 =	vand.u32 $0xFF, v10  }
0x46: {  	v21 =	vshrl.u32 v13, $0x18;
	v22 =	vshrl.u32 v13, $0x10;
	v23 =	vshrl.u32 v13, $0x8  }
0x47: {  	v13 =	vand.u32 $0xFF, v13;
	v45 =	vshrl.u32 v24, $0x10;
	v46 =	vshrl.u32 v24, $0x8  }
0x48: {  	v48 =	vshrl.u32 v24, $0x18;
	v49 =	vand.u32 $0xFF, v24;
	v50 =	vshrl.u32 v39, $0x10  }
0x49: {  	v51 =	vshrl.u32 v39, $0x8;
	v52 =	vshrl.u32 v39, $0x18;
	v53 =	vshrl.u32 v44, $0x10  }
0x4a: {  	v54 =	vshrl.u32 v44, $0x8;
	v55 =	vshrl.u32 v44, $0x18;
	v25 =	vshrl.u32 v47, $0x10  }
0x4b: {  	v26 =	vand.u32 $0xFF, v47;
	v56 =	vshrl.u32 v47, $0x8;
	v11 =	vand.u32 $0xFF, v11  }
0x4c: {  	v12 =	vand.u32 $0xFF, v12;
	v15 =	vand.u32 $0xFF, v15;
	v16 =	vand.u32 $0xFF, v16  }
0x4d: {  	v18 =	vand.u32 $0xFF, v18;
	v19 =	vand.u32 $0xFF, v19;
	v22 =	vand.u32 $0xFF, v22  }
0x4e: {  	v23 =	vand.u32 $0xFF, v23;
	v8 =	vpack.i.b32.b16 v10, v8;
	v9 =	vpack.i.b32.b16 v13, v9  }
0x4f: {  	v42 =	vpack.i.b32.b16 v20, v14;
	v43 =	vpack.i.b32.b16 v21, v17;
	v13 =	vand.u32 $0xFF, v45  }
0x50: {  	s25 =	sshll.u32 s23, $0x2;
	v20 =	vand.u32 $0xFF, v51;
	v14 =	vand.u32 $0xFF, v44;
	v25 =	vand.u32 $0xFF, v25  }
0x51: {  	s24 =	sor.u32 $0x80, s25;
	v24 =	vpack.i.b32.b16 v55, v48;
	v8 =	vpack.i.b16.b8 v9, v8;
	v37 =	vpack.i.b32.b16 v19, v12  }
0x52: {  	s26 =	sshrl.u32 s24, $0x2;
	v38 =	vpack.i.b32.b16 v23, v16;
	v40 =	vpack.i.b32.b16 v18, v11;
	v41 =	vpack.i.b32.b16 v22, v15  }
0x53: {  	v57 =	vld.idx.msk [tilespmem:v4+s26+$0x0 ss:$0x1], $0xffff;
	v11 =	vpack.i.b16.b8 v43, v42;
	v15 =	vand.u32 $0xFF, v46;
	v19 =	vand.u32 $0xFF, v50  }
0x54: {  	v60 =	vld.idx.msk [tilespmem:v5+s26+$0x0 ss:$0x1], $0xffff;
	v12 =	vand.u32 $0xFF, v39;
	v22 =	vand.u32 $0xFF, v53;
	v23 =	vand.u32 $0xFF, v54  }
0x55: {  	v62 =	vld.idx.msk [tilespmem:v6+s26+$0x0 ss:$0x1], $0xffff;
	v14 =	vpack.i.b32.b16 v14, v49;
	v16 =	vshrl.u32 v47, $0x18;
	v18 =	vand.u32 $0xFF, v56  }
0x56: {  	v63 =	vld.idx.msk [tilespmem:v7+s26+$0x0 ss:$0x1], $0xffff;
	v9 =	vpack.i.b16.b8 v38, v37;
	v10 =	vpack.i.b16.b8 v41, v40;
	v12 =	vpack.i.b32.b16 v26, v12  }
0x57: {  	v58 =	vpack.i.b32.b16 v23, v15;
	v59 =	vpack.i.b32.b16 v18, v20;
	v13 =	vpack.i.b32.b16 v22, v13  }
0x58: {  	v61 =	vpack.i.b32.b16 v25, v19;
	v16 =	vpack.i.b32.b16 v16, v52;
	v25 =	vshrl.u32 v57, $0x10  }
0x59: {  	v27 =	vshrl.u32 v57, $0x8;
	v28 =	vshrl.u32 v57, $0x18;
	v29 =	vand.u32 $0xFF, v57  }
0x5a: {  	s25 =	sor.u32 s22, s25;
	v30 =	vshrl.u32 v60, $0x18;
	v31 =	vshrl.u32 v60, $0x10;
	v32 =	vshrl.u32 v60, $0x8  }
0x5b: {  	s25 =	sshra.s32 s25, $0x2;
	v33 =	vand.u32 $0xFF, v62;
	v18 =	vand.u32 $0xFF, v60;
	v34 =	vand.u32 $0xFF, v63  }
0x5c: {  	v35 =	vshrl.u32 v62, $0x10;
	[tilespmem:v0+s25+$0x0 ss:$0x1] =	vst.idx.msk $0xffff, v8;
	v8 =	vshrl.u32 v62, $0x18;
	v19 =	vshrl.u32 v62, $0x8  }
0x5d: {  	v37 =	vshrl.u32 v63, $0x8;
	v39 =	vshrl.u32 v63, $0x10;
	v41 =	vshrl.u32 v63, $0x18  }
0x5e: {  	v12 =	vpack.i.b16.b8 v12, v14;
	v14 =	vpack.i.b16.b8 v59, v58;
	v13 =	vpack.i.b16.b8 v61, v13  }
0x5f: {  	v15 =	vpack.i.b16.b8 v16, v24;
	v16 =	vand.u32 $0xFF, v25;
	v17 =	vand.u32 $0xFF, v27  }
0x60: {  	s30 =	sor.u32 $0x30, s23;
	[tilespmem:v3+s25+$0x0 ss:$0x1] =	vst.idx.msk $0xffff, v11;
	v24 =	vand.u32 $0xFF, v31;
	v22 =	vpack.i.b32.b16 v33, v29;
	v25 =	vand.u32 $0xFF, v32  }
0x61: {  	v42 =	vld.idx.msk [tilespmem:v5+s30+$0x0 ss:$0x1], $0xffff;
	v18 =	vpack.i.b32.b16 v34, v18;
	v26 =	vand.u32 $0xFF, v35;
	[tilespmem:v1+s25+$0x0 ss:$0x1] =	vst.idx.msk $0xffff, v9;
	v36 =	vand.u32 $0xFF, v19  }
0x62: {  	v43 =	vld.idx.msk [tilespmem:v6+s30+$0x0 ss:$0x1], $0xffff;
	[tilespmem:v2+s25+$0x0 ss:$0x1] =	vst.idx.msk $0xffff, v10;
	v40 =	vand.u32 $0xFF, v37;
	v10 =	vand.u32 $0xFF, v39;
	v8 =	vpack.i.b32.b16 v8, v28  }
0x63: {  	v46 =	vld.idx.msk [tilespmem:v7+s30+$0x0 ss:$0x1], $0xffff;
	v11 =	vpack.i.b32.b16 v41, v30;
	v18 =	vpack.i.b16.b8 v18, v22;
	v9 =	vpack.i.b32.b16 v36, v17  }
0x64: {  	v17 =	vpack.i.b32.b16 v40, v25;
	v16 =	vpack.i.b32.b16 v26, v16;
	v10 =	vpack.i.b32.b16 v10, v24  }
0x65: {  	v38 =	vld.idx.msk [tilespmem:v4+s30+$0x0 ss:$0x1], $0xffff;
	v8 =	vpack.i.b16.b8 v11, v8;
	v9 =	vpack.i.b16.b8 v17, v9;
	v10 =	vpack.i.b16.b8 v10, v16  }
0x66: {  	v49 =	vshrl.u32 v42, $0x10;
	v50 =	vshrl.u32 v42, $0x8;
	v51 =	vshrl.u32 v42, $0x18  }
0x67: {  	[tilespmem:v0+s25+$0x10 ss:$0x1] =	vst.idx.msk $0xffff, v12;
	v52 =	vand.u32 $0xFF, v42;
	v53 =	vshrl.u32 v43, $0x18;
	v54 =	vshrl.u32 v43, $0x8  }
0x68: {  	[tilespmem:v1+s25+$0x10 ss:$0x1] =	vst.idx.msk $0xffff, v14;
	v55 =	vshrl.u32 v43, $0x10;
	v16 =	vand.u32 $0xFF, v43;
	v56 =	vshrl.u32 v46, $0x10  }
0x69: {  	s31 =	sor.u32 s22, s24;
	[tilespmem:v2+s25+$0x10 ss:$0x1] =	vst.idx.msk $0xffff, v13;
	v57 =	vshrl.u32 v46, $0x8;
	v58 =	vand.u32 $0xFF, v46;
	v60 =	vshrl.u32 v46, $0x18  }
0x6a: {  	s23 =	sshra.s32 s31, $0x2;
	[tilespmem:v3+s25+$0x10 ss:$0x1] =	vst.idx.msk $0xffff, v15;
	v44 =	vshrl.u32 v38, $0x10;
	v45 =	vshrl.u32 v38, $0x8;
	v48 =	vand.u32 $0xFF, v38  }
0x6b: {  	[tilespmem:v3+s23+$0x0 ss:$0x1] =	vst.idx.msk $0xffff, v8;
	v20 =	vand.u32 $0xFF, v49;
	v21 =	vand.u32 $0xFF, v50;
	v22 =	vand.u32 $0xFF, v54  }
0x6c: {  	[tilespmem:v1+s23+$0x0 ss:$0x1] =	vst.idx.msk $0xffff, v9;
	v8 =	vand.u32 $0xFF, v57;
	v59 =	vpack.i.b32.b16 v58, v52;
	v9 =	vand.u32 $0xFF, v55  }
0x6d: {  	[tilespmem:v2+s23+$0x0 ss:$0x1] =	vst.idx.msk $0xffff, v10;
	v10 =	vand.u32 $0xFF, v56;
	v63 =	vpack.i.b32.b16 v60, v51;
	v12 =	vand.u32 $0xFF, v45  }
0x6e: {  	p2 =	por p1, p1;
	[tilespmem:v0+s23+$0x0 ss:$0x1] =	vst.idx.msk $0xffff, v18;
	v11 =	vand.u32 $0xFF, v44;
	v8 =	vpack.i.b32.b16 v8, v21;
	v12 =	vpack.i.b32.b16 v22, v12  }
.Ltmp3:
0x6f: {  	v13 =	vpack.i.b32.b16 v16, v48;
	v61 =	vpack.i.b32.b16 v10, v20;
	v8 =	vpack.i.b16.b8 v8, v12;
	(pc) =	sbr.rel @p2 .LBB1_5-.Ltmp3, $4  }
0x70: {  	v47 =	vshrl.u32 v38, $0x18;
	v13 =	vpack.i.b16.b8 v59, v13;
	[tilespmem:v1+s23+$0x10 ss:$0x1] =	vst.idx.msk $0xffff, v8;
	v8 =	vpack.i.b32.b16 v9, v11  }
0x71: {  	v62 =	vpack.i.b32.b16 v53, v47;
	[tilespmem:v0+s23+$0x10 ss:$0x1] =	vst.idx.msk $0xffff, v13;
	v8 =	vpack.i.b16.b8 v61, v8  }
0x72: {  	[tilespmem:v2+s23+$0x10 ss:$0x1] =	vst.idx.msk $0xffff, v8;
	v8 =	vpack.i.b16.b8 v63, v62  }
0x73: {  	p1 =	por $0x0, $0x0;
	[tilespmem:v3+s23+$0x10 ss:$0x1] =	vst.idx.msk $0xffff, v8;
	s23 =	simm.s32 $0x40  }
.Ltmp4:
0x74: {  	(pc) =	sbr.rel @p0 .LBB1_4-.Ltmp4, $2  }
0x75: {  	_ =	sdelay $0x2  }
0x76: {  	s22 =	simm.s32 $0x200;
	p1 =	por $0x0, $0x0  }
0x77: {  	s20 =	sadd.s32 $0x1, s20  }
0x78: {  	p0 =	sne.s32 s20, $0x8  }
.Ltmp5:
0x79: {  	_ = 	snop;
	(pc) =	sbr.rel @p0 .LBB1_3-.Ltmp5, $1  }
0x7a: {  	_ =	sdelay $0x3  }
0x7b: {  	s19 =	sshrl.u32 s17, $0x3  }
0x7c: {  	s20 =	sshll.u32 s16, $0x3;
	s19 =	smul.u32 $0xC00, s19  }
0x7d: {  	s21 =	sshll.u32 s17, $0x7;
	s20 =	sand.u32 $0xFFFFFC00, s20  }
0x7e: {  	s28 =	sshll.u32 s16, $0x2;
	s27 =	sand.u32 $0x200, s21;
	s19 =	sadd.s32 s19, s20  }
0x7f: {  	s16 =	sand.u32 $0x1FC, s28;
	s19 =	sor.u32 s27, s19  }
0x80: {  	s29 =	sand.u32 $0x3, s17;
	s16 =	sor.u32 s16, s19  }
0x81: {  	s17 =	sor.u32 s29, s16;
	s16 =	smulhi.u32 $0xAAAAAAAB, s16  }
0x82: {  	s30 =	smulhi.u32 $0xAAAAAAAB, s17  }
0x83: {  	s15 =	smul.u32 $0x180, s15  }
0x84: {  	s14 =	smul.u32 $0x60, s14;
	s16 =	sshrl.u32 s16, $0x8;
	s19 =	sshrl.u32 s30, $0x8  }
0x85: {  	s16 =	sand.u32 $0x7, s16;
	s19 =	smul.u32 $0x180, s19  }
0x86: {  	s16 =	smul.u32 $0xC, s16  }
.Ltmp6:
0x87: {  	s15 =	sadd.s32 s6, s15;
	s17 =	ssub.s32 s17, s19;
	(pc) =	sbr.rel .LBB1_9-.Ltmp6, $4  }
0x88: {  	s14 =	sadd.s32 s14, s15;
	s31 =	sshll.u32 s17, $0x10  }
0x89: {  	s14 =	sadd.s32 s16, s14;
	s17 =	sshrl.u32 s17, $0x5;
	s15 =	sand.u32 $0x1C0000, s31  }
0x8a: {  	s14 =	sadd.s32 s17, s14;
	s15 =	sor.u32 $0x100, s15  }
0x8b: {  	[hbm4b:s14+s15] =	stream.strided.scatter [tilespmem:s18], [sflag:$0x2], $0x2000, s8, s15, $0x38;
	[tilespmem:$0x8000] =	vst v63  }
.LBB1_10:
0x8c: {  	_ =	sfence.sel $0x180000  }
0x8d: {  	s2 =	simm.s32 $0x1;
	[bflag:$0x0] =	sbarrier.arrive $0xFFFF  }
0x8e: {  	s31 =	simm.s32 $0x2;
	[sflag:s2] =	ssyncpa.u1 $0x1  }
0x8f: {  	[sflag:s31] =	ssyncpa.u1 $0x1  }
0x90: {  	p0 =	sne.s32 s0, $0x0;
	_ =	strace $0x90000050  }
0x91: {  	s0 =	sadd.s32 @!p0 $0x100000, s1;
	[bflag:$0x2] =	sbarrier.arrive $0xFFFF  }
0x92: {  	[sflag:s0] =	ssyncadd.tile.s32 @!p0 $0x1;
	_ =	shalt  }
.Lfunc_end1:
_tile_overlayer_lowered:
.L_overlay_start_2:
0x93: {  	(tag) =	ssettag $0x2  }
0x94: {  	s0 =	rddreg [dreg:$0x0];
	s2 =	stileid.u32  }
0x95: {  	s1 =	rddreg [dreg:$0x1];
	p0 =	sne.s32 s2, $0x0  }
0x96: {  	s3 =	rddreg [dreg:$0x2];
	[bflag:$0x3] =	sbarrier.arrive $0xFFFF;
	s2 =	simm.s32 @!p0 $0x1C01  }
0x97: {  	[timem:s3], [sflag:s2] =	dma.local @!p0 [hbm:s0], s1  }
0x98: {  	s0 =	simm.s32 @!p0 $0x1  }
0x99: {  	_ =	swait.ge @!p0 [sflag:s0], s1  }
0x9a: {  	s1 =	ssub.s32 @!p0 $0x0, s1;
	[sflag:s0] =	ssyncset.done @!p0 $0x0  }
0x9b: {  	[sflag:s0] =	ssyncadd.s32 @!p0 s1  }
0x9c: {  	[bflag:$0x3] =	sbarrier.arrive $0xFFFF  }
0x9d: {  	_ =	shalt  }

// kernel: sparse-core-data-format-call.cloned.1.call-start
scs
called_computation_lowered:
.L_overlay_start_0:
0x0: {  	s1 =	sld [smem:$0x3FD9]  }
0x1: {  	s2 =	sld [smem:$0x3FFE];
	_ =	sdelay $0x1  }
0x2: {  	s3 =	srdreg.scid  }
0x3: {  	s0 =	sand.u32 $0x1, s3  }
0x4: {  	s17 =	sshll.u32 s0, $0xA;
	s1 =	sadd.s32 s2, s1  }
0x5: {  	s1 =	sadd.s32 s1, s17  }
0x6: {  	[smem:$0x3FC2] =	sst s1  }
0x7: {  	_ = 	snop  }
0x8: {  	(tm) =	ssettm $0x1  }
0x9: {  	s18 =	sld [smem:$0x3FFB];
	_ =	sdelay $0x3  }
0xa: {  	_ =	strace s18  }
0xb: {  	s1 =	sld [smem:$0x3FFC];
	_ =	sdelay $0x3  }
0xc: {  	_ =	strace s1  }
0xd: {  	s1 =	sld [smem:$0x3FFD];
	_ =	sdelay $0x3  }
0xe: {  	_ =	strace s1  }
0xf: {  	_ =	strace $0x8FFFFFFF  }
0x10: {  	s19 =	sld [smem:$0x3FDB];
	_ =	sdelay $0x1  }
0x11: {  	s20 =	simm.s32 $_scs_section_size  }
0x12: {  	s4 =	simm.s32 $_size__tile_overlayer_lowered;
	s5 =	simm.s32 $_tile_overlayer_lowered  }
0x13: {  	s23 =	simm.s32 $0x1BFF;
	s22 =	sshll.u32 s5, $0x1;
	s1 =	sadd.s32 s20, s19  }
0x14: {  	s6 =	simm.s32 $0x0;
	s21 =	sshll.u32 s4, $0x1;
	s4 =	sadd.s32 s22, s1  }
0x15: {  	[timem:s6], [sflag:s23] =	dma.local [hbm:s4], s21  }
0x16: {  	_ =	swait.ge [sflag:s23], s21  }
0x17: {  	s2 =	ssub.s32 $0x0, s21;
	[sflag:s23] =	ssyncset.done $0x0  }
0x18: {  	[sflag:s23] =	ssyncadd.s32 s2;
	_ =	sdelay $0x1  }
0x19: {  	s24 =	simm.s32 $0x1B8B  }
0x1a: {  	_ =	swait.ge [sflag:s24], $0x1  }
0x1b: {  	[sflag:s24] =	ssyncset.done $0x0  }
0x1c: {  	s26 =	simm.s32 $0x1B8E;
	s25 =	sld [smem:$0x3FFE];
	[sflag:s24] =	ssyncadd.s32 $0xFFFFFFFF  }
0x1d: {  	s27 =	simm.s32 $execute0_lowered;
	[smem:$0x3FD2] =	sst s26  }
0x1e: {  	s4 =	sshll.u32 s27, $0x1;
	_ =	strace $0x80000046;
	[dreg:$0x1] =	wrdreg $0xFFFFFFFF  }
0x1f: {  	s28 =	simm.s32 $_size_execute0_lowered;
	s1 =	sadd.s32 s1, s4;
	[dreg:$0x0] =	wrdreg $0x0  }
0x20: {  	s4 =	sshll.u32 s28, $0x1;
	[dreg:$0x2] =	wrdreg s1  }
0x21: {  	[dreg:$0x3] =	wrdreg s4  }
0x22: {  	[dreg:$0x4] =	wrdreg $0xC0  }
0x23: {  	_ =	task [dreg:s6], $0x5FFFF  }
0x24: {  	[dreg:$0x1] =	wrdreg $0xFFFFFFFF  }
0x25: {  	[dreg:$0x0] =	wrdreg $0x60  }
0x26: {  	[dreg:$0x2] =	wrdreg s25  }
0x27: {  	[dreg:$0x3] =	wrdreg $0x9  }
0x28: {  	_ =	task.clear_ibuf [dreg:s6], $0x4FFFF;
	_ =	strace $0x90000046  }
0x29: {  	s29 =	simm.s32 $0x9;
	_ =	strace $0x80000048  }
0x2a: {  	_ =	swait.ge [sflag:s29], $0x1  }
0x2b: {  	[sflag:s29] =	ssyncadd.s32 $0xFFFFFFFF  }
0x2c: {  	_ =	strace $0x90000048  }
0x2d: {  	_ =	sfence  }
0x2e: {  	s30 =	sld [smem:$0x0];
	_ =	sdelay $0x2  }
0x2f: {  	s31 =	sshll.u32 s3, $0xD;
	s3 =	sshrl.u32 s3, $0x2  }
0x30: {  	s2 =	sand.u32 $0x4000, s31;
	s1 =	sadd.s32 s3, s30  }
0x31: {  	s0 =	sor.u32 s2, s0;
	s1 =	sshll.u32 s1, $0x11  }
0x32: {  	s0 =	sor.u32 s1, s0  }
0x33: {  	s0 =	sadd.s32 $0x8F2B, s0  }
0x34: {  	[sflag:s0] =	ssyncadd.remote.s32 $0x1  }
0x35: {  	_ =	sfence.sel $0xFFFF  }
0x36: {  	[dreg:$0x0] =	wrdreg $0xFFFFFFFF;
	(pc) =	sbr.abs _section_cstart, $3  }
0x37: {  	[dreg:$0x1] =	wrdreg $0xFFFFFFFF  }
0x38: {  	_ =	task.clear_ibuf [dreg:s6], $0x2FFFF;
	_ =	strace $0x9FFFFFFF  }
0x39: {  	(tm) =	ssettm $0x7FFFFFFF  }
tec
execute0_lowered:
.L_overlay_start_1:
0x0: {  	(tag) =	ssettag $0x1  }
0x1: {  	s0 =	srdreg.scid  }
0x2: {  	s5 =	rddreg [dreg:$0x0];
	s4 =	simm.s32 $0x1;
	s1 =	sshll.u32 s0, $0x4  }
0x3: {  	s31 =	simm.s32 $0x2;
	s0 =	stileid.u32;
	s1 =	sand.u32 $0x10, s1  }
0x4: {  	s12 =	simm.s32 $0x0;
	p0 =	por $0x0, $0x0;
	s1 =	sor.u32 s0, s1  }
0x5: {  	s8 =	simm.s32 $0x64000;
	s13 =	simm.s32 $0x0;
	s2 =	sshll.u32 s1, $0x7  }
.Ltmp0:
0x6: {  	s9 =	simm.s32 $0x0;
	s3 =	ssub.s32 $0xC780, s2;
	(pc) =	sbr.rel .LBB1_1-.Ltmp0, $4  }
0x7: {  	s1 =	rddreg [dreg:$0x1];
	_ =	strace $0x80000047;
	s6 =	sshrl.u32 s3, $0xC  }
0x8: {  	s11 =	simm.s32 $0x0;
	[sflag:s4] =	ssyncpa.u1 $0x0;
	s7 =	smul.u32 $0x3, s6  }
0x9: {  	s10 =	smov.u32 s2;
	s3 =	sadd.s32 $0x267A00, s5;
	s5 =	sadd.s32 $0x1200, s5  }
0xa: {  	[sflag:s31] =	ssyncpa.u1 $0x0;
	s6 =	sadd.s32 $0x3, s7;
	s7 =	sadd.s32 $0x4, s7  }
.LBB1_5:
0xb: {  	s14 =	sadd.s32 $0x80, s9  }
0xc: {  	s12 =	sadd.s32 $0x1000, s10;
	s16 =	smov.u32 s10;
	p2 =	sgt.s32 s14, $0x17F  }
0xd: {  	s16 =	smov.u32 @p2 s12  }
0xe: {  	s14 =	simm.s32 @p2 $0x0;
	p2 =	sgt.s32 s16, $0xC783  }
0xf: {  	s16 =	smov.u32 @p2 s2;
	p2 =	sne.s32 s11, s7  }
.Ltmp1:
0x10: {  	p1 =	slt.u32 s11, $0x2;
	(pc) =	sbr.rel @!p2 .LBB1_6-.Ltmp1, $4  }
0x11: {  	s15 =	simm.s32 @!p1 $0x2  }
0x12: {  	s13 =	smov.u32 s10;
	p0 =	por !p0, !p0;
	_ =	swait.ge @!p1 [sflag:s15], $0x4000  }
0x13: {  	s12 =	smov.u32 s9;
	[sflag:s15] =	ssyncset.done @!p1 $0x0;
	s9 =	smov.u32 s14  }
0x14: {  	s11 =	sadd.s32 $0x1, s11;
	[sflag:s15] =	ssyncadd.s32 @!p1 $0xFFFFC000;
	s10 =	smov.u32 s16  }
.LBB1_1:
0x15: {  	p1 =	sge.u32 s11, s6  }
0x16: {  	s17 =	smov.u32 s10;
	s19 =	smov.u32 s9;
	s14 =	sshrl.u32 @!p1 s10, $0x3  }
0x17: {  	s15 =	sshll.u32 @!p1 s9, $0x3;
	s16 =	sshll.u32 @!p1 s10, $0x7;
	s14 =	smul.u32 @!p1 $0xC00, s14  }
0x18: {  	p2 =	sgt.s32 @!p1 s10, $0xC708;
	s18 =	sshra.s32 @!p1 s10, $0x1F;
	s15 =	sand.u32 @!p1 $0xFFFFFC00, s15  }
0x19: {  	s20 =	sshra.s32 @!p1 s9, $0x1F;
	s14 =	sadd.s32 @!p1 s14, s15;
	s15 =	sand.u32 @!p1 $0x380, s16  }
0x1a: {  	p2 =	por !p2, p1;
	s16 =	sand.u32 @!p1 $0x7F, s9;
	s14 =	sor.u32 @!p1 s15, s14  }
0x1b: {  	s17 =	simm.s32 @p2 $0xC708;
	p2 =	sgt.s32 @!p1 s9, $0x100;
	s15 =	sor.u32 @!p1 s16, s14  }
0x1c: {  	s18 =	sand.u32 @!p1 s18, s10;
	p2 =	por !p2, p1;
	s16 =	smulhi.u32 @!p1 $0xAAAAAAAB, s15  }
0x1d: {  	s20 =	sand.u32 @!p1 s20, s9;
	s19 =	simm.s32 @p2 $0x100;
	s14 =	smulhi.u32 @!p1 $0xAAAAAAAB, s14  }
0x1e: {  	s17 =	ssub.s32 @!p1 s17, s18;
	s19 =	ssub.s32 @!p1 s19, s20;
	s16 =	sshrl.u32 @!p1 s16, $0x8  }
0x1f: {  	s20 =	sadd.s32 @!p1 $0xFFFFFF00, s19;
	s14 =	sshrl.u32 @!p1 s14, $0x8;
	s16 =	smul.u32 @!p1 $0x180, s16  }
0x20: {  	s19 =	ssub.s32 @!p1 $0x180, s19;
	p3 =	sgt.s32 @!p1 s20, $0x7F;
	s18 =	smulhi.u32 @!p1 $0x1487327, s14  }
0x21: {  	p3 =	por !p3, p1;
	s15 =	ssub.s32 @!p1 s15, s16;
	s16 =	sadd.s32 @!p1 $0xFFFF38F8, s17  }
0x22: {  	s17 =	ssub.s32 @!p1 $0xC788, s17;
	p2 =	sgt.s32 @!p1 s16, $0x7F;
	s16 =	sshrl.u32 @!p1 s18, $0x8  }
0x23: {  	s18 =	sxor.u32 @!p1 $0xFFFFFFFF, s11;
	s16 =	smul.u32 @!p1 $0xC788, s16;
	p2 =	por !p2, p1  }
0x24: {  	s19 =	simm.s32 @!p3 $0x0;
	s18 =	sshll.u32 @!p1 s18, $0xE;
	s17 =	simm.s32 @!p2 $0x0  }
0x25: {  	s18 =	sand.u32 @!p1 $0x4000, s18;
	s14 =	ssub.s32 @!p1 s14, s16;
	s16 =	smul.u32 @!p1 s17, s19  }
0x26: {  	s17 =	sshrl.u32 @!p1 s15, $0x3;
	s15 =	sand.u32 @!p1 $0x7, s15;
	s14 =	smul.u32 @!p1 $0x30, s14  }
0x27: {  	s17 =	sadd.s32 @!p1 s3, s17;
	s15 =	sshll.u32 @!p1 s15, $0x12;
	s16 =	sand.u32 @!p1 $0x3FFFFFFF, s16  }
0x28: {  	s15 =	sor.u32 @!p1 $0x400, s15;
	s14 =	sadd.s32 @!p1 s14, s17;
	s17 =	simm.s32 @!p1 $0xC00  }
0x29: {  	[tilespmem:s18], [sflag:$0x1] =	stream.strided.gather @!p1 [hbm4b:s14+s15], s16, s17, s15, $0x38;
	[tilespmem:$0x10100] =	vst v63  }
0x2a: {  	p1 =	seq.s32 s11, $0x0  }
0x2b: {  	p2 =	sge.u32 @!p1 s11, s7  }
0x2c: {  	p1 =	por p1, p2  }
.Ltmp2:
0x2d: {  	_ = 	snop;
	(pc) =	sbr.rel @p1 .LBB1_5-.Ltmp2, $1  }
0x2e: {  	_ =	sdelay $0x3  }
0x2f: {  	p1 =	sgt.s32 s13, $0xC708  }
0x30: {  	s14 =	smov.u32 s13;
	s15 =	sshra.s32 s13, $0x1F;
	s16 =	smov.u32 s12  }
0x31: {  	s17 =	sshra.s32 s12, $0x1F;
	s14 =	simm.s32 @!p1 $0xC708;
	p1 =	sgt.s32 s12, $0x100  }
0x32: {  	s15 =	sand.u32 s15, s13;
	s27 =	sand.u32 s17, s12;
	s16 =	simm.s32 @!p1 $0x100  }
0x33: {  	s14 =	ssub.s32 s14, s15;
	s15 =	ssub.s32 s16, s27  }
0x34: {  	s28 =	sadd.s32 $0xFFFF38F8, s14;
	s14 =	ssub.s32 $0xC788, s14;
	s16 =	sadd.s32 $0xFFFFFF00, s15  }
0x35: {  	p1 =	sgt.s32 s28, $0x7F;
	s15 =	ssub.s32 $0x180, s15;
	p2 =	sgt.s32 s16, $0x7F  }
0x36: {  	s14 =	simm.s32 @p1 $0x0;
	s15 =	simm.s32 @p2 $0x0  }
0x37: {  	s14 =	smul.u32 s14, s15;
	_ =	sdelay $0x1  }
0x38: {  	s15 =	simm.s32 $0x1;
	s14 =	sand.u32 $0x3FFFFFFF, s14  }
0x39: {  	s15 =	simm.s32 @!p0 $0x0;
	_ =	swait.ge [sflag:s4], s14  }
0x3a: {  	s29 =	sshll.u32 s15, $0xE;
	s14 =	ssub.s32 $0x0, s14;
	[sflag:s4] =	ssyncset.done $0x0  }
0x3b: {  	s16 =	sor.u32 $0x40, s29;
	[sflag:s4] =	ssyncadd.s32 s14  }
0x3c: {  	s30 =	smul.u32 $0x10200, s15;
	v0 =	vld [tilespmem:s16+$0x30]  }
0x3d: {  	v1 =	vld [tilespmem:s16+$0xFFFFFFD0]  }
0x3e: {  	s14 =	sshrl.u32 s30, $0x2;
	v5 =	vld [tilespmem:s16+$0xFFFFFFE0]  }
0x3f: {  	s15 =	sor.u32 $0x8000, s14;
	v6 =	vld [tilespmem:s16+$0xFFFFFFF0]  }
0x40: {  	s31 =	sand.u32 $0x1, s11;
	v3 =	vld [tilespmem:s16+$0x0];
	s17 =	sadd.s32 $0x0, s15  }
0x41: {  	s14 =	smul.u32 $0x10200, s31;
	v4 =	vld [tilespmem:s16+$0x10];
	[tilespmem:s17+$0x3870 ss:$0x81] =	vst.msk $0xffff, v0  }
0x42: {  	v2 =	vld [tilespmem:s16+$0x20];
	[tilespmem:s17+$0x810 ss:$0x81] =	vst.msk $0xffff, v1  }
0x43: {  	s14 =	sshrl.u32 s14, $0x2;
	v0 =	vld [tilespmem:s16+$0xFFFFFFC0];
	[tilespmem:s17+$0x1020 ss:$0x81] =	vst.msk $0xffff, v5;
	s16 =	sadd.s32 $0x80, s16  }
0x44: {  	s18 =	simm.s32 $0x4;
	s19 =	simm.s32 $0x8;
	s14 =	sor.u32 $0x8000, s14;
	[tilespmem:s17+$0x1830 ss:$0x81] =	vst.msk $0xffff, v6;
	v1 =	vld [tilespmem:s16+$0x30]  }
.LBB1_3:
0x45: {  	p1 =	sne.s32 s19, $0x1FC;
	v5 =	vld [tilespmem:s16+$0xFFFFFFD0];
	[tilespmem:s17+$0x2040 ss:$0x81] =	vst.msk $0xffff, v3  }
0x46: {  	v6 =	vld [tilespmem:s16+$0xFFFFFFE0];
	[tilespmem:s17+$0x2850 ss:$0x81] =	vst.msk $0xffff, v4  }
0x47: {  	s20 =	sshra.s32 s18, $0x2;
	s18 =	smov.u32 s19;
	v7 =	vld [tilespmem:s16+$0xFFFFFFF0];
	[tilespmem:s17+$0x3060 ss:$0x81] =	vst.msk $0xffff, v2  }
.Ltmp3:
0x48: {  	v3 =	vld [tilespmem:s16+$0x0];
	[tilespmem:s17+$0x0 ss:$0x81] =	vst.msk $0xffff, v0;
	s17 =	sadd.s32 s20, s15;
	(pc) =	sbr.rel @p1 .LBB1_3-.Ltmp3, $4  }
0x49: {  	v4 =	vld [tilespmem:s16+$0x10];
	[tilespmem:s17+$0x3870 ss:$0x81] =	vst.msk $0xffff, v1  }
0x4a: {  	[tilespmem:s17+$0x810 ss:$0x81] =	vst.msk $0xffff, v5;
	v2 =	vld [tilespmem:s16+$0x20]  }
0x4b: {  	v0 =	vld [tilespmem:s16+$0xFFFFFFC0];
	[tilespmem:s17+$0x1020 ss:$0x81] =	vst.msk $0xffff, v6;
	s16 =	sadd.s32 $0x80, s16  }
0x4c: {  	s19 =	sadd.s32 $0x4, s19;
	v1 =	vld [tilespmem:s16+$0x30];
	[tilespmem:s17+$0x1830 ss:$0x81] =	vst.msk $0xffff, v7  }
0x4d: {  	s19 =	sshrl.u32 s12, $0x3  }
0x4e: {  	s20 =	sshll.u32 s13, $0x3;
	s24 =	sshll.u32 s12, $0x7;
	s19 =	smul.u32 $0x64000, s19  }
0x4f: {  	s25 =	sand.u32 $0x7F, s13;
	s20 =	sand.u32 $0xFFFFFC00, s20;
	s12 =	sand.u32 $0x380, s24  }
0x50: {  	v5 =	vld [tilespmem:s16+$0xFFFFFFD0];
	[tilespmem:s17+$0x2040 ss:$0x81] =	vst.msk $0xffff, v3;
	s12 =	sor.u32 s25, s12;
	s19 =	sadd.s32 s20, s19  }
0x51: {  	v58 =	vld [tilespmem:s16+$0xFFFFFFE0];
	[tilespmem:s17+$0x2850 ss:$0x81] =	vst.msk $0xffff, v4;
	s12 =	sor.u32 s19, s12;
	s26 =	smulhi.u32 $0x51EB851F, s19  }
0x52: {  	s18 =	sshra.s32 s18, $0x2;
	v59 =	vld [tilespmem:s16+$0xFFFFFFF0];
	[tilespmem:s17+$0x3060 ss:$0x81] =	vst.msk $0xffff, v2;
	s27 =	smulhi.u32 $0x51EB851F, s12  }
0x53: {  	v60 =	vld [tilespmem:s16+$0x0];
	s15 =	sadd.s32 s18, s15;
	[tilespmem:s17+$0x0 ss:$0x81] =	vst.msk $0xffff, v0;
	s13 =	sshrl.u32 s26, $0xE  }
0x54: {  	v61 =	vld [tilespmem:s16+$0x10];
	[tilespmem:s15+$0x3870 ss:$0x81] =	vst.msk $0xffff, v1;
	s28 =	sshrl.u32 s27, $0xE;
	s29 =	smulhi.u32 $0xAAAAAB, s13  }
0x55: {  	v62 =	vld [tilespmem:s16+$0x20];
	[tilespmem:s15+$0x810 ss:$0x81] =	vst.msk $0xffff, v5;
	s17 =	smul.u32 $0xC800, s28  }
0x56: {  	v63 =	vld [tilespmem:s16+$0xFFFFFFC0];
	[tilespmem:s15+$0x1020 ss:$0x81] =	vst.msk $0xffff, v58;
	s30 =	smul.u32 $0x180, s29  }
0x57: {  	[tilespmem:s15+$0x1830 ss:$0x81] =	vst.msk $0xffff, v59  }
.Ltmp4:
0x58: {  	[tilespmem:s15+$0x2040 ss:$0x81] =	vst.msk $0xffff, v60;
	s12 =	ssub.s32 s12, s17;
	s13 =	ssub.s32 s13, s30;
	(pc) =	sbr.rel .LBB1_5-.Ltmp4, $4  }
0x59: {  	[tilespmem:s15+$0x2850 ss:$0x81] =	vst.msk $0xffff, v61;
	s31 =	sshrl.u32 s12, $0x3;
	s12 =	sand.u32 $0x7, s12;
	s13 =	smul.u32 $0x1900, s13  }
0x5a: {  	[tilespmem:s15+$0x3060 ss:$0x81] =	vst.msk $0xffff, v62;
	s16 =	sadd.s32 s5, s31;
	s12 =	sshll.u32 s12, $0x12  }
0x5b: {  	[tilespmem:s15+$0x0 ss:$0x81] =	vst.msk $0xffff, v63;
	s12 =	sor.u32 $0x400, s12;
	s13 =	sadd.s32 s13, s16  }
0x5c: {  	[hbm4b:s13+s12] =	stream.strided.scatter [tilespmem:s14], [sflag:$0x2], $0x4000, s8, s12, $0x20;
	[tilespmem:$0x10100] =	vst v63  }
.LBB1_6:
0x5d: {  	_ =	sfence.sel $0x180000  }
0x5e: {  	s2 =	simm.s32 $0x1;
	[bflag:$0x0] =	sbarrier.arrive $0xFFFF  }
0x5f: {  	s31 =	simm.s32 $0x2;
	[sflag:s2] =	ssyncpa.u1 $0x1  }
0x60: {  	[sflag:s31] =	ssyncpa.u1 $0x1  }
0x61: {  	p0 =	sne.s32 s0, $0x0;
	_ =	strace $0x90000047  }
0x62: {  	s0 =	sadd.s32 @!p0 $0x100000, s1;
	[bflag:$0x2] =	sbarrier.arrive $0xFFFF  }
0x63: {  	[sflag:s0] =	ssyncadd.tile.s32 @!p0 $0x1;
	_ =	shalt  }
.Lfunc_end1:
_tile_overlayer_lowered:
.L_overlay_start_2:
0x64: {  	(tag) =	ssettag $0x2  }
0x65: {  	s0 =	rddreg [dreg:$0x0];
	s2 =	stileid.u32  }
0x66: {  	s1 =	rddreg [dreg:$0x1];
	p0 =	sne.s32 s2, $0x0  }
0x67: {  	s3 =	rddreg [dreg:$0x2];
	[bflag:$0x3] =	sbarrier.arrive $0xFFFF;
	s2 =	simm.s32 @!p0 $0x1C01  }
0x68: {  	[timem:s3], [sflag:s2] =	dma.local @!p0 [hbm:s0], s1  }
0x69: {  	s0 =	simm.s32 @!p0 $0x1  }
0x6a: {  	_ =	swait.ge @!p0 [sflag:s0], s1  }
0x6b: {  	s1 =	ssub.s32 @!p0 $0x0, s1;
	[sflag:s0] =	ssyncset.done @!p0 $0x0  }
0x6c: {  	[sflag:s0] =	ssyncadd.s32 @!p0 s1  }
0x6d: {  	[bflag:$0x3] =	sbarrier.arrive $0xFFFF  }
0x6e: {  	_ =	shalt  }

</sc_bundles>
